<compile_context>
chip_gen: v7x
topology: tpu7x:2x2x1
jax: 0.10.2.dev20260603
libtpu: 0.0.44.dev20260713+nightly
codegen_flags: <defaults>
</compile_context>

<pallas_src>
import math

import numpy as np
import jax
import jax.numpy as jnp
from jax import lax
from jax.experimental import pallas as pl
from jax.experimental.pallas import tpu as pltpu

_B, _L, _D = 4, 8192, 768
_H, _DK, _U = 12, 64, 50
_NU = _H * _U
_BL = 1024
_BK = 1024

_F32 = jnp.float32
_BF16 = jnp.bfloat16

_IDX_SAMPLE = np.asarray([
    2357, 5665, 1885, 32, 4380, 7910, 4774, 7902, 3521, 7587, 3552, 5218,
    5424, 4781, 7884, 124, 1912, 5929, 235, 7940, 3146, 7584, 5586, 5739,
    6092, 5525, 4343, 2866, 7935, 7898, 6327, 7445, 7905, 2412, 3345, 1560,
    170, 4466, 7592, 7928, 2565, 5869, 5844, 1295, 2306, 1174, 5180, 412,
    3021, 7932], dtype=np.int32)


def _mmb(a, b, dims):
    return lax.dot_general(a.astype(_BF16), b.astype(_BF16),
                           (dims, ((), ())), preferred_element_type=_F32)


def _mmf(a, b, dims):
    return lax.dot_general(a, b, (dims, ((), ())),
                           preferred_element_type=_F32,
                           precision=lax.Precision.HIGHEST)


def _p0_body(ksr_ref, wk_ref, bkc_ref, ks2_ref):
    kst = _mmb(wk_ref[...], ksr_ref[0], ((1,), (1,))) + bkc_ref[...]
    row = lax.broadcasted_iota(jnp.int32, (_D, _DK), 0) // _DK
    col = lax.broadcasted_iota(jnp.int32, (_D, _DK), 1)
    pad = jnp.zeros((_D, _DK - _U), _F32)
    parts = []
    for h in range(_H):
        blk = jnp.concatenate([kst, pad], axis=1)
        parts.append(jnp.where((row == h) & (col < _U), blk, 0.0))
    ks2_ref[0] = jnp.concatenate(parts, axis=1)


def _p0(ksamp_raw, Wk, bk_col):
    return pl.pallas_call(
        _p0_body,
        grid=(_B,),
        in_specs=[
            pl.BlockSpec((1, _U, _D), lambda b: (b, 0, 0)),
            pl.BlockSpec((_D, _D), lambda b: (0, 0)),
            pl.BlockSpec((_D, 1), lambda b: (0, 0)),
        ],
        out_specs=pl.BlockSpec((1, _D, _D), lambda b: (b, 0, 0)),
        out_shape=jax.ShapeDtypeStruct((_B, _D, _D), _F32),
    )(ksamp_raw, Wk, bk_col)


def _p1_body(q_ref, wq_ref, bq_ref, ks2_ref, m_ref):
    qh = _mmb(q_ref[0], wq_ref[...], ((1,), (1,))) + bq_ref[...]
    s = _mmb(qh, ks2_ref[0], ((1,), (0,)))
    padb = jnp.where(
        lax.broadcasted_iota(jnp.int32, (1, _D), 1) % _DK < _U, 0.0, -3e38)
    smax = jnp.max((s + padb).reshape(_BL, _H, _DK), axis=-1)
    ssum = jnp.sum(s.reshape(_BL, _H, _DK), axis=-1)
    m_ref[0] = (smax - ssum / _U).T


def _p1(q, Wq, bq2, ks2):
    return pl.pallas_call(
        _p1_body,
        grid=(_B, _L // _BL),
        in_specs=[
            pl.BlockSpec((1, _BL, _D), lambda b, l: (b, l, 0)),
            pl.BlockSpec((_D, _D), lambda b, l: (0, 0)),
            pl.BlockSpec((1, _D), lambda b, l: (0, 0)),
            pl.BlockSpec((1, _D, _D), lambda b, l: (b, 0, 0)),
        ],
        out_specs=pl.BlockSpec((1, _H, _BL), lambda b, l: (b, 0, l)),
        out_shape=jax.ShapeDtypeStruct((_B, _H, _L), _F32),
    )(q, Wq, bq2, ks2)


def _p3_body(qw_ref, wq_ref, bq_ref, wk_ref, qe_ref):
    qt = _mmb(qw_ref[0], wq_ref[...], ((1,), (1,))) + bq_ref[...]
    rh = lax.broadcasted_iota(jnp.int32, (_NU, _D), 0) // _U
    ch = lax.broadcasted_iota(jnp.int32, (_NU, _D), 1) // _DK
    qtm = jnp.where(rh == ch, qt, 0.0)
    qe_ref[0] = _mmb(qtm, wk_ref[...], ((1,), (0,))) * 0.125


def _p3(q_win, Wq, bq2, Wk):
    return pl.pallas_call(
        _p3_body,
        grid=(_B,),
        in_specs=[
            pl.BlockSpec((1, _NU, _D), lambda b: (b, 0, 0)),
            pl.BlockSpec((_D, _D), lambda b: (0, 0)),
            pl.BlockSpec((1, _D), lambda b: (0, 0)),
            pl.BlockSpec((_D, _D), lambda b: (0, 0)),
        ],
        out_specs=pl.BlockSpec((1, _NU, _D), lambda b: (b, 0, 0)),
        out_shape=jax.ShapeDtypeStruct((_B, _NU, _D), _F32),
    )(q_win, Wq, bq2, Wk)


def _p4_body(qe_ref, k_ref, v_ref, ov_ref, vs_ref, acc_ref, m_ref, l_ref,
             vsum_ref):
    kb = pl.program_id(1)

    @pl.when(kb == 0)
    def _init():
        acc_ref[...] = jnp.zeros_like(acc_ref)
        m_ref[...] = jnp.full_like(m_ref, -3e38)
        l_ref[...] = jnp.zeros_like(l_ref)
        vsum_ref[...] = jnp.zeros_like(vsum_ref)

    lg = _mmb(qe_ref[0], k_ref[0], ((1,), (1,)))
    m_old = m_ref[...]
    m_new = jnp.maximum(m_old, jnp.max(lg, axis=1, keepdims=True))
    alpha = jnp.exp(m_old - m_new)
    p = jnp.exp(lg - m_new)
    l_ref[...] = l_ref[...] * alpha + jnp.sum(p, axis=1, keepdims=True)
    m_ref[...] = m_new
    acc_ref[...] = acc_ref[...] * alpha + _mmb(p, v_ref[0], ((1,), (0,)))
    vsum_ref[0:1, :] = vsum_ref[0:1, :] + jnp.sum(v_ref[0], axis=0,
                                                  keepdims=True)

    @pl.when(kb == (_L // _BK) - 1)
    def _fin():
        ov_ref[0] = acc_ref[...] / l_ref[...]
        vs_ref[0] = vsum_ref[...]


def _p4(qe, k, v):
    return pl.pallas_call(
        _p4_body,
        grid=(_B, _L // _BK),
        in_specs=[
            pl.BlockSpec((1, _NU, _D), lambda b, kb: (b, 0, 0)),
            pl.BlockSpec((1, _BK, _D), lambda b, kb: (b, kb, 0)),
            pl.BlockSpec((1, _BK, _D), lambda b, kb: (b, kb, 0)),
        ],
        out_specs=[
            pl.BlockSpec((1, _NU, _D), lambda b, kb: (b, 0, 0)),
            pl.BlockSpec((1, 8, _D), lambda b, kb: (b, 0, 0)),
        ],
        out_shape=[
            jax.ShapeDtypeStruct((_B, _NU, _D), _F32),
            jax.ShapeDtypeStruct((_B, 8, _D), _F32),
        ],
        scratch_shapes=[
            pltpu.VMEM((_NU, _D), _F32),
            pltpu.VMEM((_NU, 1), _F32),
            pltpu.VMEM((_NU, 1), _F32),
            pltpu.VMEM((8, _D), _F32),
        ],
    )(qe, k, v)


def _p6_body(ov_ref, vs_ref, wv_ref, bv_ref, wo_ref, bo_ref,
             delta_ref, base_ref):
    vmean_raw = vs_ref[0, 0:1, :] * (1.0 / _L)
    vmean = _mmb(vmean_raw, wv_ref[...], ((1,), (1,))) + bv_ref[...]
    vmb = vmean.astype(_BF16).astype(_F32)
    ov = _mmb(ov_ref[0], wv_ref[...], ((1,), (1,))) + bv_ref[...]
    parts = []
    for h in range(_H):
        c0 = h * _DK
        ot = ov[h * _U:(h + 1) * _U, c0:c0 + _DK]
        d_h = ot.astype(_BF16).astype(_F32) - vmb[0:1, c0:c0 + _DK]
        wo_h = wo_ref[:, c0:c0 + _DK].astype(_BF16).astype(_F32)
        parts.append(_mmf(d_h, wo_h, ((1,), (1,))))
    delta_ref[0] = jnp.concatenate(parts, axis=0)
    base_ref[0] = _mmb(vmean, wo_ref[...], ((1,), (1,))) + bo_ref[...]


def _p6(out_v, vs, Wv, bv2, Wo, bo2):
    return pl.pallas_call(
        _p6_body,
        grid=(_B,),
        in_specs=[
            pl.BlockSpec((1, _NU, _D), lambda b: (b, 0, 0)),
            pl.BlockSpec((1, 8, _D), lambda b: (b, 0, 0)),
            pl.BlockSpec((_D, _D), lambda b: (0, 0)),
            pl.BlockSpec((1, _D), lambda b: (0, 0)),
            pl.BlockSpec((_D, _D), lambda b: (0, 0)),
            pl.BlockSpec((1, _D), lambda b: (0, 0)),
        ],
        out_specs=[
            pl.BlockSpec((1, _NU, _D), lambda b: (b, 0, 0)),
            pl.BlockSpec((1, 1, _D), lambda b: (b, 0, 0)),
        ],
        out_shape=[
            jax.ShapeDtypeStruct((_B, _NU, _D), _F32),
            jax.ShapeDtypeStruct((_B, 1, _D), _F32),
        ],
    )(out_v, vs, Wv, bv2, Wo, bo2)


def _p7_body(ti_ref, perm_ref, offs_ref, base_ref, delta_ref, out_ref):
    b = pl.program_id(0)
    blk = pl.program_id(1)
    out_ref[0] = jnp.broadcast_to(base_ref[0], (_BL, _D))

    def _add(i, carry):
        r = ti_ref[b, i] - blk * _BL
        p = perm_ref[b, i]
        out_ref[0, pl.ds(r, 1), :] += delta_ref[0, pl.ds(p, 1), :]
        return carry

    lax.fori_loop(offs_ref[b, blk], offs_ref[b, blk + 1], _add, 0)


def _p7(ti_sorted, perm, offs, base, delta):
    return pl.pallas_call(
        _p7_body,
        grid_spec=pltpu.PrefetchScalarGridSpec(
            num_scalar_prefetch=3,
            grid=(_B, _L // _BL),
            in_specs=[
                pl.BlockSpec((1, 1, _D), lambda b, l, *_: (b, 0, 0)),
                pl.BlockSpec((1, _NU, _D), lambda b, l, *_: (b, 0, 0)),
            ],
            out_specs=pl.BlockSpec((1, _BL, _D), lambda b, l, *_: (b, l, 0)),
        ),
        out_shape=jax.ShapeDtypeStruct((_B, _L, _D), _F32),
    )(ti_sorted, perm, offs, base, delta)


def kernel(q, k, v, Wq, bq, Wk, bk, Wv, bv, Wo, bo):
    bq2 = bq.reshape(1, _D)
    bk2 = bk.reshape(1, _D)
    bv2 = bv.reshape(1, _D)
    bo2 = bo.reshape(1, _D)
    bk_col = bk.reshape(_D, 1)

    ksamp_raw = k[:, _IDX_SAMPLE, :]
    ks2 = _p0(ksamp_raw, Wk, bk_col)
    m = _p1(q, Wq, bq2, ks2)

    _, top_idx = lax.top_k(m, _U)
    ti_flat = top_idx.reshape(_B, _NU)

    q_win = jnp.take_along_axis(q, ti_flat[..., None], axis=1)
    qe = _p3(q_win, Wq, bq2, Wk)
    out_v, vs = _p4(qe, k, v)
    delta, base = _p6(out_v, vs, Wv, bv2, Wo, bo2)

    perm = jnp.argsort(ti_flat, axis=1).astype(jnp.int32)
    ti_sorted = jnp.take_along_axis(ti_flat, perm, axis=1)
    bounds = jnp.arange(0, _L + 1, _BL, dtype=jnp.int32)
    offs = jax.vmap(
        lambda t: jnp.searchsorted(t, bounds, side='left')
    )(ti_sorted).astype(jnp.int32)
    return _p7(ti_sorted, perm, offs, base, delta)

# --- scband reference (transcript-rebuilt; emitter-appended) ---
"""Pipeline reference for scband-prob-sparse-self-attention-635655160240 (READ-ONLY COPY).

The authoritative reference and input builder live on the scoring server;
editing this copy changes nothing except your own understanding.
"""

import jax, jax.numpy as jnp
import numpy as np
import math

N_HEADS = 12
FACTOR = 5

def setup_inputs(seed: int = 0):
    key = jax.random.key(seed)
    ks = jax.random.split(key, 7)
    B, L, D = 4, 8192, 768
    s = 1.0 / math.sqrt(D)
    return {
        "q": jax.random.normal(ks[0], (B, L, D), jnp.float32),
        "k": jax.random.normal(ks[1], (B, L, D), jnp.float32),
        "v": jax.random.normal(ks[2], (B, L, D), jnp.float32),
        "Wq": jax.random.normal(ks[3], (D, D), jnp.float32) * s,
        "bq": jnp.zeros((D,), jnp.float32),
        "Wk": jax.random.normal(ks[4], (D, D), jnp.float32) * s,
        "bk": jnp.zeros((D,), jnp.float32),
        "Wv": jax.random.normal(ks[5], (D, D), jnp.float32) * s,
        "bv": jnp.zeros((D,), jnp.float32),
        "Wo": jax.random.normal(ks[6], (D, D), jnp.float32) * s,
        "bo": jnp.zeros((D,), jnp.float32),
    }

def _forward(q, k, v, Wq, bq, Wk, bk, Wv, bv, Wo, bo):
    B, L_Q, D = q.shape
    L_K = k.shape[1]
    H = N_HEADS
    d_k = D // H
    qh = (q @ Wq.T + bq).reshape(B, L_Q, H, d_k).transpose(0, 2, 1, 3)
    kh = (k @ Wk.T + bk).reshape(B, L_K, H, d_k).transpose(0, 2, 1, 3)
    vh = (v @ Wv.T + bv).reshape(B, L_K, H, d_k).transpose(0, 2, 1, 3)
    U_part = min(FACTOR * int(math.ceil(math.log(max(L_K, 2)))), L_K)
    u = min(FACTOR * int(math.ceil(math.log(max(L_Q, 2)))), L_Q)
    index_sample = jax.random.randint(jax.random.key(1234), (U_part,), 0, L_K)
    k_sample = kh[:, :, index_sample, :]
    Q_K_sample = jnp.einsum('bhqd,bhkd->bhqk', qh, k_sample)
    M = Q_K_sample.max(axis=-1) - Q_K_sample.mean(axis=-1)
    _, top_idx = jax.lax.top_k(M, u)
    q_top = jnp.take_along_axis(qh, top_idx[..., None], axis=2)
    attn_scores = jnp.einsum('bhud,bhkd->bhuk', q_top, kh) / math.sqrt(d_k)
    attn_weights = jax.nn.softmax(attn_scores, axis=-1)
    out_top = jnp.einsum('bhuk,bhkd->bhud', attn_weights, vh)
    v_mean = vh.mean(axis=-2, keepdims=True)
    out_full = jnp.broadcast_to(v_mean, (B, H, L_Q, d_k))
    b_idx = jnp.arange(B)[:, None, None]
    h_idx = jnp.arange(H)[None, :, None]
    out_full = out_full.at[b_idx, h_idx, top_idx].set(out_top)
    out = out_full.transpose(0, 2, 1, 3).reshape(B, L_Q, D)
    return out @ Wo.T + bo

def reference(q, k, v, Wq, bq, Wk, bk, Wv, bv, Wo, bo):
    return _forward(q, k, v, Wq, bq, Wk, bk, Wv, bv, Wo, bo)

if __name__ == "__main__":
    import jax
    _d = setup_inputs()
    print(jax.jit(kernel)(*tuple(_d.values())))

</pallas_src>

<mosaic_0001>
module attributes {stable_mosaic.version = 14 : i64} {
  func.func @_p0_body(%arg0: i32, %arg1: memref<1x50x768xf32, #tpu.memory_space<vmem>>, %arg2: memref<768x768xf32, #tpu.memory_space<vmem>>, %arg3: memref<768x1xf32, #tpu.memory_space<vmem>>, %arg4: memref<1x768x768xf32, #tpu.memory_space<vmem>>) attributes {dimension_semantics = [#tpu.dimension_semantics<arbitrary>], iteration_bounds = array<i64: 4>, scalar_prefetch = 0 : i64, scratch_operands = 0 : i64, tpu.core_type = #tpu.core_type<tc>, window_params = [{transform_indices = @transform_0, window_bounds = array<i64: 1, 50, 768>}, {pipeline_mode = #tpu.pipeline_mode<synchronous>, transform_indices = @transform_1, window_bounds = array<i64: 768, 768>}, {pipeline_mode = #tpu.pipeline_mode<synchronous>, transform_indices = @transform_2, window_bounds = array<i64: 768, 1>}, {transform_indices = @transform_3, window_bounds = array<i64: 1, 768, 768>}]} {
    %get3A = arith.constant 0 : index
    %get3A_0 = arith.constant 0 : index
    %get3A_1 = vector.load %arg2[%get3A, %get3A_0] : memref<768x768xf32, #tpu.memory_space<vmem>>, vector<768x768xf32>
    %get3A_2 = arith.constant 0 : index
    %get3A_3 = arith.constant 0 : index
    %get3A_4 = arith.constant 0 : index
    %get3A_5 = vector.load %arg1[%get3A_2, %get3A_3, %get3A_4] : memref<1x50x768xf32, #tpu.memory_space<vmem>>, vector<1x50x768xf32>
    %get3A_6 = vector.shape_cast %get3A_5 : vector<1x50x768xf32> to vector<50x768xf32>
    %convert_element_type3A = arith.truncf %get3A_1 : vector<768x768xf32> to vector<768x768xbf16>
    %convert_element_type3A_7 = arith.truncf %get3A_6 : vector<50x768xf32> to vector<50x768xbf16>
    %dot_general3A = arith.constant dense<0.000000e+00> : vector<768x50xf32>
    %dot_general3A_8 = tpu.matmul %convert_element_type3A, %convert_element_type3A_7, %dot_general3A {dimension_numbers = #tpu.dot_dimension_numbers<[1], [1], [0], [0], [0, 0, 1, 0], [], []>, transpose_lhs_hint = false} : vector<768x768xbf16>, vector<50x768xbf16>, vector<768x50xf32> -> vector<768x50xf32>
    %get3A_9 = arith.constant 0 : index
    %get3A_10 = arith.constant 0 : index
    %get3A_11 = vector.load %arg3[%get3A_9, %get3A_10] : memref<768x1xf32, #tpu.memory_space<vmem>>, vector<768x1xf32>
    %add3A = vector.broadcast %get3A_11 : vector<768x1xf32> to vector<768x50xf32>
    %add3A_12 = arith.addf %dot_general3A_8, %add3A : vector<768x50xf32>
    %iota3A = tpu.iota {dimensions = array<i32: 0>} : vector<768x64xi32>
    %jit3A = arith.constant 64 : i32
    %div3A = vector.broadcast %jit3A : i32 to vector<768x64xi32>
    %div3A_13 = arith.divsi %iota3A, %div3A : vector<768x64xi32>
    %sign3A = arith.constant 0 : i32
    %sign3A_14 = vector.broadcast %sign3A : i32 to vector<768x64xi32>
    %sign3A_15 = arith.cmpi sgt, %iota3A, %sign3A_14 : vector<768x64xi32>
    %sign3A_16 = arith.extui %sign3A_15 : vector<768x64xi1> to vector<768x64xi32>
    %sign3A_17 = arith.constant 0 : i32
    %sign3A_18 = vector.broadcast %sign3A_17 : i32 to vector<768x64xi32>
    %sign3A_19 = arith.cmpi slt, %iota3A, %sign3A_18 : vector<768x64xi32>
    %sign3A_20 = arith.extui %sign3A_19 : vector<768x64xi1> to vector<768x64xi32>
    %sign3A_21 = arith.subi %sign3A_16, %sign3A_20 : vector<768x64xi32>
    %sign3A_22 = arith.constant 0 : i32
    %sign3A_23 = arith.cmpi sgt, %jit3A, %sign3A_22 : i32
    %sign3A_24 = arith.extui %sign3A_23 : i1 to i32
    %sign3A_25 = arith.constant 0 : i32
    %sign3A_26 = arith.cmpi slt, %jit3A, %sign3A_25 : i32
    %sign3A_27 = arith.extui %sign3A_26 : i1 to i32
    %sign3A_28 = arith.subi %sign3A_24, %sign3A_27 : i32
    %ne3A = vector.broadcast %sign3A_28 : i32 to vector<768x64xi32>
    %ne3A_29 = arith.cmpi ne, %sign3A_21, %ne3A : vector<768x64xi32>
    %rem3A = vector.broadcast %jit3A : i32 to vector<768x64xi32>
    %rem3A_30 = arith.remsi %iota3A, %rem3A : vector<768x64xi32>
    %ne3A_31 = arith.constant 0 : i32
    %ne3A_32 = vector.broadcast %ne3A_31 : i32 to vector<768x64xi32>
    %ne3A_33 = arith.cmpi ne, %rem3A_30, %ne3A_32 : vector<768x64xi32>
    %and3A = arith.andi %ne3A_29, %ne3A_33 : vector<768x64xi1>
    %sub3A = arith.constant 1 : i32
    %sub3A_34 = vector.broadcast %sub3A : i32 to vector<768x64xi32>
    %sub3A_35 = arith.subi %div3A_13, %sub3A_34 : vector<768x64xi32>
    %select_n3A = arith.select %and3A, %sub3A_35, %div3A_13 : vector<768x64xi1>, vector<768x64xi32>
    %iota3A_36 = tpu.iota {dimensions = array<i32: 1>} : vector<768x64xi32>
    %broadcast_in_dim3A = arith.constant 0.000000e+00 : f32
    %broadcast_in_dim3A_37 = vector.broadcast %broadcast_in_dim3A : f32 to vector<768x14xf32>
    %concatenate3A = tpu.concatenate %add3A_12, %broadcast_in_dim3A_37 in 1 : vector<768x50xf32>, vector<768x14xf32> -> vector<768x64xf32>
    %eq3A = arith.constant 0 : i32
    %eq3A_38 = vector.broadcast %eq3A : i32 to vector<768x64xi32>
    %eq3A_39 = arith.cmpi eq, %select_n3A, %eq3A_38 : vector<768x64xi32>
    %lt3A = arith.constant 50 : i32
    %lt3A_40 = vector.broadcast %lt3A : i32 to vector<768x64xi32>
    %lt3A_41 = arith.cmpi slt, %iota3A_36, %lt3A_40 : vector<768x64xi32>
    %and3A_42 = arith.andi %eq3A_39, %lt3A_41 : vector<768x64xi1>
    %jit3A_43 = arith.constant 0.000000e+00 : f32
    %broadcast_in_dim3A_44 = vector.broadcast %jit3A_43 : f32 to vector<768x64xf32>
    %select_n3A_45 = arith.select %and3A_42, %concatenate3A, %broadcast_in_dim3A_44 : vector<768x64xi1>, vector<768x64xf32>
    %concatenate3A_46 = tpu.concatenate %add3A_12, %broadcast_in_dim3A_37 in 1 : vector<768x50xf32>, vector<768x14xf32> -> vector<768x64xf32>
    %eq3A_47 = arith.constant 1 : i32
    %eq3A_48 = vector.broadcast %eq3A_47 : i32 to vector<768x64xi32>
    %eq3A_49 = arith.cmpi eq, %select_n3A, %eq3A_48 : vector<768x64xi32>
    %lt3A_50 = arith.constant 50 : i32
    %lt3A_51 = vector.broadcast %lt3A_50 : i32 to vector<768x64xi32>
    %lt3A_52 = arith.cmpi slt, %iota3A_36, %lt3A_51 : vector<768x64xi32>
    %and3A_53 = arith.andi %eq3A_49, %lt3A_52 : vector<768x64xi1>
    %jit3A_54 = arith.constant 0.000000e+00 : f32
    %broadcast_in_dim3A_55 = vector.broadcast %jit3A_54 : f32 to vector<768x64xf32>
    %select_n3A_56 = arith.select %and3A_53, %concatenate3A_46, %broadcast_in_dim3A_55 : vector<768x64xi1>, vector<768x64xf32>
    %concatenate3A_57 = tpu.concatenate %add3A_12, %broadcast_in_dim3A_37 in 1 : vector<768x50xf32>, vector<768x14xf32> -> vector<768x64xf32>
    %eq3A_58 = arith.constant 2 : i32
    %eq3A_59 = vector.broadcast %eq3A_58 : i32 to vector<768x64xi32>
    %eq3A_60 = arith.cmpi eq, %select_n3A, %eq3A_59 : vector<768x64xi32>
    %lt3A_61 = arith.constant 50 : i32
    %lt3A_62 = vector.broadcast %lt3A_61 : i32 to vector<768x64xi32>
    %lt3A_63 = arith.cmpi slt, %iota3A_36, %lt3A_62 : vector<768x64xi32>
    %and3A_64 = arith.andi %eq3A_60, %lt3A_63 : vector<768x64xi1>
    %jit3A_65 = arith.constant 0.000000e+00 : f32
    %broadcast_in_dim3A_66 = vector.broadcast %jit3A_65 : f32 to vector<768x64xf32>
    %select_n3A_67 = arith.select %and3A_64, %concatenate3A_57, %broadcast_in_dim3A_66 : vector<768x64xi1>, vector<768x64xf32>
    %concatenate3A_68 = tpu.concatenate %add3A_12, %broadcast_in_dim3A_37 in 1 : vector<768x50xf32>, vector<768x14xf32> -> vector<768x64xf32>
    %eq3A_69 = arith.constant 3 : i32
    %eq3A_70 = vector.broadcast %eq3A_69 : i32 to vector<768x64xi32>
    %eq3A_71 = arith.cmpi eq, %select_n3A, %eq3A_70 : vector<768x64xi32>
    %lt3A_72 = arith.constant 50 : i32
    %lt3A_73 = vector.broadcast %lt3A_72 : i32 to vector<768x64xi32>
    %lt3A_74 = arith.cmpi slt, %iota3A_36, %lt3A_73 : vector<768x64xi32>
    %and3A_75 = arith.andi %eq3A_71, %lt3A_74 : vector<768x64xi1>
    %jit3A_76 = arith.constant 0.000000e+00 : f32
    %broadcast_in_dim3A_77 = vector.broadcast %jit3A_76 : f32 to vector<768x64xf32>
    %select_n3A_78 = arith.select %and3A_75, %concatenate3A_68, %broadcast_in_dim3A_77 : vector<768x64xi1>, vector<768x64xf32>
    %concatenate3A_79 = tpu.concatenate %add3A_12, %broadcast_in_dim3A_37 in 1 : vector<768x50xf32>, vector<768x14xf32> -> vector<768x64xf32>
    %eq3A_80 = arith.constant 4 : i32
    %eq3A_81 = vector.broadcast %eq3A_80 : i32 to vector<768x64xi32>
    %eq3A_82 = arith.cmpi eq, %select_n3A, %eq3A_81 : vector<768x64xi32>
    %lt3A_83 = arith.constant 50 : i32
    %lt3A_84 = vector.broadcast %lt3A_83 : i32 to vector<768x64xi32>
    %lt3A_85 = arith.cmpi slt, %iota3A_36, %lt3A_84 : vector<768x64xi32>
    %and3A_86 = arith.andi %eq3A_82, %lt3A_85 : vector<768x64xi1>
    %jit3A_87 = arith.constant 0.000000e+00 : f32
    %broadcast_in_dim3A_88 = vector.broadcast %jit3A_87 : f32 to vector<768x64xf32>
    %select_n3A_89 = arith.select %and3A_86, %concatenate3A_79, %broadcast_in_dim3A_88 : vector<768x64xi1>, vector<768x64xf32>
    %concatenate3A_90 = tpu.concatenate %add3A_12, %broadcast_in_dim3A_37 in 1 : vector<768x50xf32>, vector<768x14xf32> -> vector<768x64xf32>
    %eq3A_91 = arith.constant 5 : i32
    %eq3A_92 = vector.broadcast %eq3A_91 : i32 to vector<768x64xi32>
    %eq3A_93 = arith.cmpi eq, %select_n3A, %eq3A_92 : vector<768x64xi32>
    %lt3A_94 = arith.constant 50 : i32
    %lt3A_95 = vector.broadcast %lt3A_94 : i32 to vector<768x64xi32>
    %lt3A_96 = arith.cmpi slt, %iota3A_36, %lt3A_95 : vector<768x64xi32>
    %and3A_97 = arith.andi %eq3A_93, %lt3A_96 : vector<768x64xi1>
    %jit3A_98 = arith.constant 0.000000e+00 : f32
    %broadcast_in_dim3A_99 = vector.broadcast %jit3A_98 : f32 to vector<768x64xf32>
    %select_n3A_100 = arith.select %and3A_97, %concatenate3A_90, %broadcast_in_dim3A_99 : vector<768x64xi1>, vector<768x64xf32>
    %concatenate3A_101 = tpu.concatenate %add3A_12, %broadcast_in_dim3A_37 in 1 : vector<768x50xf32>, vector<768x14xf32> -> vector<768x64xf32>
    %eq3A_102 = arith.constant 6 : i32
    %eq3A_103 = vector.broadcast %eq3A_102 : i32 to vector<768x64xi32>
    %eq3A_104 = arith.cmpi eq, %select_n3A, %eq3A_103 : vector<768x64xi32>
    %lt3A_105 = arith.constant 50 : i32
    %lt3A_106 = vector.broadcast %lt3A_105 : i32 to vector<768x64xi32>
    %lt3A_107 = arith.cmpi slt, %iota3A_36, %lt3A_106 : vector<768x64xi32>
    %and3A_108 = arith.andi %eq3A_104, %lt3A_107 : vector<768x64xi1>
    %jit3A_109 = arith.constant 0.000000e+00 : f32
    %broadcast_in_dim3A_110 = vector.broadcast %jit3A_109 : f32 to vector<768x64xf32>
    %select_n3A_111 = arith.select %and3A_108, %concatenate3A_101, %broadcast_in_dim3A_110 : vector<768x64xi1>, vector<768x64xf32>
    %concatenate3A_112 = tpu.concatenate %add3A_12, %broadcast_in_dim3A_37 in 1 : vector<768x50xf32>, vector<768x14xf32> -> vector<768x64xf32>
    %eq3A_113 = arith.constant 7 : i32
    %eq3A_114 = vector.broadcast %eq3A_113 : i32 to vector<768x64xi32>
    %eq3A_115 = arith.cmpi eq, %select_n3A, %eq3A_114 : vector<768x64xi32>
    %lt3A_116 = arith.constant 50 : i32
    %lt3A_117 = vector.broadcast %lt3A_116 : i32 to vector<768x64xi32>
    %lt3A_118 = arith.cmpi slt, %iota3A_36, %lt3A_117 : vector<768x64xi32>
    %and3A_119 = arith.andi %eq3A_115, %lt3A_118 : vector<768x64xi1>
    %jit3A_120 = arith.constant 0.000000e+00 : f32
    %broadcast_in_dim3A_121 = vector.broadcast %jit3A_120 : f32 to vector<768x64xf32>
    %select_n3A_122 = arith.select %and3A_119, %concatenate3A_112, %broadcast_in_dim3A_121 : vector<768x64xi1>, vector<768x64xf32>
    %concatenate3A_123 = tpu.concatenate %add3A_12, %broadcast_in_dim3A_37 in 1 : vector<768x50xf32>, vector<768x14xf32> -> vector<768x64xf32>
    %eq3A_124 = arith.constant 8 : i32
    %eq3A_125 = vector.broadcast %eq3A_124 : i32 to vector<768x64xi32>
    %eq3A_126 = arith.cmpi eq, %select_n3A, %eq3A_125 : vector<768x64xi32>
    %lt3A_127 = arith.constant 50 : i32
    %lt3A_128 = vector.broadcast %lt3A_127 : i32 to vector<768x64xi32>
    %lt3A_129 = arith.cmpi slt, %iota3A_36, %lt3A_128 : vector<768x64xi32>
    %and3A_130 = arith.andi %eq3A_126, %lt3A_129 : vector<768x64xi1>
    %jit3A_131 = arith.constant 0.000000e+00 : f32
    %broadcast_in_dim3A_132 = vector.broadcast %jit3A_131 : f32 to vector<768x64xf32>
    %select_n3A_133 = arith.select %and3A_130, %concatenate3A_123, %broadcast_in_dim3A_132 : vector<768x64xi1>, vector<768x64xf32>
    %concatenate3A_134 = tpu.concatenate %add3A_12, %broadcast_in_dim3A_37 in 1 : vector<768x50xf32>, vector<768x14xf32> -> vector<768x64xf32>
    %eq3A_135 = arith.constant 9 : i32
    %eq3A_136 = vector.broadcast %eq3A_135 : i32 to vector<768x64xi32>
    %eq3A_137 = arith.cmpi eq, %select_n3A, %eq3A_136 : vector<768x64xi32>
    %lt3A_138 = arith.constant 50 : i32
    %lt3A_139 = vector.broadcast %lt3A_138 : i32 to vector<768x64xi32>
    %lt3A_140 = arith.cmpi slt, %iota3A_36, %lt3A_139 : vector<768x64xi32>
    %and3A_141 = arith.andi %eq3A_137, %lt3A_140 : vector<768x64xi1>
    %jit3A_142 = arith.constant 0.000000e+00 : f32
    %broadcast_in_dim3A_143 = vector.broadcast %jit3A_142 : f32 to vector<768x64xf32>
    %select_n3A_144 = arith.select %and3A_141, %concatenate3A_134, %broadcast_in_dim3A_143 : vector<768x64xi1>, vector<768x64xf32>
    %concatenate3A_145 = tpu.concatenate %add3A_12, %broadcast_in_dim3A_37 in 1 : vector<768x50xf32>, vector<768x14xf32> -> vector<768x64xf32>
    %eq3A_146 = arith.constant 10 : i32
    %eq3A_147 = vector.broadcast %eq3A_146 : i32 to vector<768x64xi32>
    %eq3A_148 = arith.cmpi eq, %select_n3A, %eq3A_147 : vector<768x64xi32>
    %lt3A_149 = arith.constant 50 : i32
    %lt3A_150 = vector.broadcast %lt3A_149 : i32 to vector<768x64xi32>
    %lt3A_151 = arith.cmpi slt, %iota3A_36, %lt3A_150 : vector<768x64xi32>
    %and3A_152 = arith.andi %eq3A_148, %lt3A_151 : vector<768x64xi1>
    %jit3A_153 = arith.constant 0.000000e+00 : f32
    %broadcast_in_dim3A_154 = vector.broadcast %jit3A_153 : f32 to vector<768x64xf32>
    %select_n3A_155 = arith.select %and3A_152, %concatenate3A_145, %broadcast_in_dim3A_154 : vector<768x64xi1>, vector<768x64xf32>
    %concatenate3A_156 = tpu.concatenate %add3A_12, %broadcast_in_dim3A_37 in 1 : vector<768x50xf32>, vector<768x14xf32> -> vector<768x64xf32>
    %eq3A_157 = arith.constant 11 : i32
    %eq3A_158 = vector.broadcast %eq3A_157 : i32 to vector<768x64xi32>
    %eq3A_159 = arith.cmpi eq, %select_n3A, %eq3A_158 : vector<768x64xi32>
    %lt3A_160 = arith.constant 50 : i32
    %lt3A_161 = vector.broadcast %lt3A_160 : i32 to vector<768x64xi32>
    %lt3A_162 = arith.cmpi slt, %iota3A_36, %lt3A_161 : vector<768x64xi32>
    %and3A_163 = arith.andi %eq3A_159, %lt3A_162 : vector<768x64xi1>
    %jit3A_164 = arith.constant 0.000000e+00 : f32
    %broadcast_in_dim3A_165 = vector.broadcast %jit3A_164 : f32 to vector<768x64xf32>
    %select_n3A_166 = arith.select %and3A_163, %concatenate3A_156, %broadcast_in_dim3A_165 : vector<768x64xi1>, vector<768x64xf32>
    %concatenate3A_167 = tpu.concatenate %select_n3A_45, %select_n3A_56, %select_n3A_67, %select_n3A_78, %select_n3A_89, %select_n3A_100, %select_n3A_111, %select_n3A_122, %select_n3A_133, %select_n3A_144, %select_n3A_155, %select_n3A_166 in 1 : vector<768x64xf32>, vector<768x64xf32>, vector<768x64xf32>, vector<768x64xf32>, vector<768x64xf32>, vector<768x64xf32>, vector<768x64xf32>, vector<768x64xf32>, vector<768x64xf32>, vector<768x64xf32>, vector<768x64xf32>, vector<768x64xf32> -> vector<768x768xf32>
    %swap3A = arith.constant 0 : index
    %swap3A_168 = arith.constant 0 : index
    %swap3A_169 = arith.constant 0 : index
    %swap3A_170 = vector.load %arg4[%swap3A, %swap3A_168, %swap3A_169] : memref<1x768x768xf32, #tpu.memory_space<vmem>>, vector<1x768x768xf32>
    %swap3A_171 = vector.shape_cast %swap3A_170 : vector<1x768x768xf32> to vector<768x768xf32>
    %swap3A_172 = vector.shape_cast %concatenate3A_167 : vector<768x768xf32> to vector<1x768x768xf32>
    tpu.vector_store %arg4[%swap3A, %swap3A_168, %swap3A_169], %swap3A_172 {strides = array<i32>} : memref<1x768x768xf32, #tpu.memory_space<vmem>>, vector<1x768x768xf32>,
    return
  }
  func.func @transform_0(%arg0: i32) -> (i32, i32, i32) {
    %c0_i32 = arith.constant 0 : i32
    %c0_i32_0 = arith.constant 0 : i32
    %c0_i32_1 = arith.constant 0 : i32
    return %arg0, %c0_i32, %c0_i32_0 : i32, i32, i32
  }
  func.func @transform_1(%arg0: i32) -> (i32, i32) {
    %c0_i32 = arith.constant 0 : i32
    %c0_i32_0 = arith.constant 0 : i32
    %c0_i32_1 = arith.constant 0 : i32
    return %c0_i32, %c0_i32_0 : i32, i32
  }
  func.func @transform_2(%arg0: i32) -> (i32, i32) {
    %c0_i32 = arith.constant 0 : i32
    %c0_i32_0 = arith.constant 0 : i32
    %c0_i32_1 = arith.constant 0 : i32
    return %c0_i32, %c0_i32_0 : i32, i32
  }
  func.func @transform_3(%arg0: i32) -> (i32, i32, i32) {
    %c0_i32 = arith.constant 0 : i32
    %c0_i32_0 = arith.constant 0 : i32
    %c0_i32_1 = arith.constant 0 : i32
    return %arg0, %c0_i32, %c0_i32_0 : i32, i32, i32
  }
}

module attributes {stable_mosaic.version = 14 : i64} {
  func.func @_p1_body(%arg0: i32, %arg1: i32, %arg2: memref<1x1024x768xf32, #tpu.memory_space<vmem>>, %arg3: memref<768x768xf32, #tpu.memory_space<vmem>>, %arg4: memref<1x768xf32, #tpu.memory_space<vmem>>, %arg5: memref<1x768x768xf32, #tpu.memory_space<vmem>>, %arg6: memref<1x12x1024xf32, #tpu.memory_space<vmem>>) attributes {dimension_semantics = [#tpu.dimension_semantics<arbitrary>, #tpu.dimension_semantics<arbitrary>], iteration_bounds = array<i64: 4, 8>, scalar_prefetch = 0 : i64, scratch_operands = 0 : i64, tpu.core_type = #tpu.core_type<tc>, window_params = [{transform_indices = @transform_0, window_bounds = array<i64: 1, 1024, 768>}, {pipeline_mode = #tpu.pipeline_mode<synchronous>, transform_indices = @transform_1, window_bounds = array<i64: 768, 768>}, {pipeline_mode = #tpu.pipeline_mode<synchronous>, transform_indices = @transform_2, window_bounds = array<i64: 1, 768>}, {transform_indices = @transform_3, window_bounds = array<i64: 1, 768, 768>}, {transform_indices = @transform_4, window_bounds = array<i64: 1, 12, 1024>}]} {
    %get3A = arith.constant 0 : index
    %get3A_0 = arith.constant 0 : index
    %get3A_1 = arith.constant 0 : index
    %get3A_2 = vector.load %arg2[%get3A, %get3A_0, %get3A_1] : memref<1x1024x768xf32, #tpu.memory_space<vmem>>, vector<1x1024x768xf32>
    %get3A_3 = vector.shape_cast %get3A_2 : vector<1x1024x768xf32> to vector<1024x768xf32>
    %get3A_4 = arith.constant 0 : index
    %get3A_5 = arith.constant 0 : index
    %get3A_6 = vector.load %arg3[%get3A_4, %get3A_5] : memref<768x768xf32, #tpu.memory_space<vmem>>, vector<768x768xf32>
    %convert_element_type3A = arith.truncf %get3A_3 : vector<1024x768xf32> to vector<1024x768xbf16>
    %convert_element_type3A_7 = arith.truncf %get3A_6 : vector<768x768xf32> to vector<768x768xbf16>
    %dot_general3A = arith.constant dense<0.000000e+00> : vector<1024x768xf32>
    %dot_general3A_8 = tpu.matmul %convert_element_type3A, %convert_element_type3A_7, %dot_general3A {dimension_numbers = #tpu.dot_dimension_numbers<[1], [1], [0], [0], [0, 0, 1, 0], [], []>, transpose_lhs_hint = false} : vector<1024x768xbf16>, vector<768x768xbf16>, vector<1024x768xf32> -> vector<1024x768xf32>
    %get3A_9 = arith.constant 0 : index
    %get3A_10 = arith.constant 0 : index
    %get3A_11 = vector.load %arg4[%get3A_9, %get3A_10] : memref<1x768xf32, #tpu.memory_space<vmem>>, vector<1x768xf32>
    %add3A = vector.broadcast %get3A_11 : vector<1x768xf32> to vector<1024x768xf32>
    %add3A_12 = arith.addf %dot_general3A_8, %add3A : vector<1024x768xf32>
    %get3A_13 = arith.constant 0 : index
    %get3A_14 = arith.constant 0 : index
    %get3A_15 = arith.constant 0 : index
    %get3A_16 = vector.load %arg5[%get3A_13, %get3A_14, %get3A_15] : memref<1x768x768xf32, #tpu.memory_space<vmem>>, vector<1x768x768xf32>
    %get3A_17 = vector.shape_cast %get3A_16 : vector<1x768x768xf32> to vector<768x768xf32>
    %convert_element_type3A_18 = arith.truncf %add3A_12 : vector<1024x768xf32> to vector<1024x768xbf16>
    %convert_element_type3A_19 = arith.truncf %get3A_17 : vector<768x768xf32> to vector<768x768xbf16>
    %dot_general3A_20 = arith.constant dense<0.000000e+00> : vector<1024x768xf32>
    %dot_general3A_21 = tpu.matmul %convert_element_type3A_18, %convert_element_type3A_19, %dot_general3A_20 {dimension_numbers = #tpu.dot_dimension_numbers<[1], [0], [0], [1], [0, 0, 1, 1], [], []>, transpose_lhs_hint = false} : vector<1024x768xbf16>, vector<768x768xbf16>, vector<1024x768xf32> -> vector<1024x768xf32>
    %iota3A = tpu.iota {dimensions = array<i32: 1>} : vector<1x768xi32>
    %jit3A = arith.constant 64 : i32
    %eq3A = arith.constant 0 : i32
    %eq3A_22 = arith.cmpi eq, %jit3A, %eq3A : i32
    %jit3A_23 = arith.constant 1 : i32
    %select_n3A = arith.select %eq3A_22, %jit3A_23, %jit3A : i32
    %rem3A = vector.broadcast %select_n3A : i32 to vector<1x768xi32>
    %rem3A_24 = arith.remsi %iota3A, %rem3A : vector<1x768xi32>
    %ne3A = arith.constant 0 : i32
    %ne3A_25 = vector.broadcast %ne3A : i32 to vector<1x768xi32>
    %ne3A_26 = arith.cmpi ne, %rem3A_24, %ne3A_25 : vector<1x768xi32>
    %lt3A = arith.constant 0 : i32
    %lt3A_27 = vector.broadcast %lt3A : i32 to vector<1x768xi32>
    %lt3A_28 = arith.cmpi slt, %rem3A_24, %lt3A_27 : vector<1x768xi32>
    %lt3A_29 = arith.constant 0 : i32
    %lt3A_30 = arith.cmpi slt, %select_n3A, %lt3A_29 : i32
    %ne3A_31 = vector.broadcast %lt3A_30 : i1 to vector<1x768xi1>
    %ne3A_32 = vector.broadcast %ne3A_31 : vector<1x768xi1> to vector<1x768xi1>
    %ne3A_33 = arith.xori %lt3A_28, %ne3A_32 : vector<1x768xi1>
    %and3A = arith.andi %ne3A_33, %ne3A_26 : vector<1x768xi1>
    %add3A_34 = vector.broadcast %select_n3A : i32 to vector<1x768xi32>
    %add3A_35 = arith.addi %rem3A_24, %add3A_34 : vector<1x768xi32>
    %select_n3A_36 = arith.select %and3A, %add3A_35, %rem3A_24 : vector<1x768xi1>, vector<1x768xi32>
    %lt3A_37 = arith.constant 50 : i32
    %lt3A_38 = vector.broadcast %lt3A_37 : i32 to vector<1x768xi32>
    %lt3A_39 = arith.cmpi slt, %select_n3A_36, %lt3A_38 : vector<1x768xi32>
    %jit3A_40 = arith.constant 0.000000e+00 : f32
    %jit3A_41 = arith.constant -3.000000e+38 : f32
    %broadcast_in_dim3A = vector.broadcast %jit3A_40 : f32 to vector<1x768xf32>
    %broadcast_in_dim3A_42 = vector.broadcast %jit3A_41 : f32 to vector<1x768xf32>
    %select_n3A_43 = arith.select %lt3A_39, %broadcast_in_dim3A, %broadcast_in_dim3A_42 : vector<1x768xi1>, vector<1x768xf32>
    %add3A_44 = vector.broadcast %select_n3A_43 : vector<1x768xf32> to vector<1024x768xf32>
    %add3A_45 = arith.addf %dot_general3A_21, %add3A_44 : vector<1024x768xf32>
    %reshape3A = vector.shape_cast %add3A_45 : vector<1024x768xf32> to vector<1024x12x64xf32>
    %reduce_max3A = arith.constant dense<0xFF800000> : vector<1024x12xf32>
    %reduce_max3A_46 = vector.multi_reduction <maximumf>, %reshape3A, %reduce_max3A [2] : vector<1024x12x64xf32> to vector<1024x12xf32>
    %reshape3A_47 = vector.shape_cast %dot_general3A_21 : vector<1024x768xf32> to vector<1024x12x64xf32>
    %reduce_sum3A = arith.constant dense<0.000000e+00> : vector<1024x12xf32>
    %reduce_sum3A_48 = vector.multi_reduction <add>, %reshape3A_47, %reduce_sum3A [2] : vector<1024x12x64xf32> to vector<1024x12xf32>
    %div3A = arith.constant 5.000000e+01 : f32
    %div3A_49 = vector.broadcast %div3A : f32 to vector<1024x12xf32>
    %div3A_50 = arith.divf %reduce_sum3A_48, %div3A_49 : vector<1024x12xf32>
    %sub3A = arith.subf %reduce_max3A_46, %div3A_50 : vector<1024x12xf32>
    %transpose3A = tpu.transpose %sub3A, [1, 0] : vector<1024x12xf32> -> vector<12x1024xf32>
    %swap3A = arith.constant 0 : index
    %swap3A_51 = arith.constant 0 : index
    %swap3A_52 = arith.constant 0 : index
    %swap3A_53 = vector.load %arg6[%swap3A, %swap3A_51, %swap3A_52] : memref<1x12x1024xf32, #tpu.memory_space<vmem>>, vector<1x12x1024xf32>
    %swap3A_54 = vector.shape_cast %swap3A_53 : vector<1x12x1024xf32> to vector<12x1024xf32>
    %swap3A_55 = vector.shape_cast %transpose3A : vector<12x1024xf32> to vector<1x12x1024xf32>
    tpu.vector_store %arg6[%swap3A, %swap3A_51, %swap3A_52], %swap3A_55 {strides = array<i32>} : memref<1x12x1024xf32, #tpu.memory_space<vmem>>, vector<1x12x1024xf32>,
    return
  }
  func.func @transform_0(%arg0: i32, %arg1: i32) -> (i32, i32, i32) {
    %c0_i32 = arith.constant 0 : i32
    %c0_i32_0 = arith.constant 0 : i32
    return %arg0, %arg1, %c0_i32 : i32, i32, i32
  }
  func.func @transform_1(%arg0: i32, %arg1: i32) -> (i32, i32) {
    %c0_i32 = arith.constant 0 : i32
    %c0_i32_0 = arith.constant 0 : i32
    %c0_i32_1 = arith.constant 0 : i32
    return %c0_i32, %c0_i32_0 : i32, i32
  }
  func.func @transform_2(%arg0: i32, %arg1: i32) -> (i32, i32) {
    %c0_i32 = arith.constant 0 : i32
    %c0_i32_0 = arith.constant 0 : i32
    %c0_i32_1 = arith.constant 0 : i32
    return %c0_i32, %c0_i32_0 : i32, i32
  }
  func.func @transform_3(%arg0: i32, %arg1: i32) -> (i32, i32, i32) {
    %c0_i32 = arith.constant 0 : i32
    %c0_i32_0 = arith.constant 0 : i32
    %c0_i32_1 = arith.constant 0 : i32
    return %arg0, %c0_i32, %c0_i32_0 : i32, i32, i32
  }
  func.func @transform_4(%arg0: i32, %arg1: i32) -> (i32, i32, i32) {
    %c0_i32 = arith.constant 0 : i32
    %c0_i32_0 = arith.constant 0 : i32
    return %arg0, %c0_i32, %arg1 : i32, i32, i32
  }
}

module attributes {stable_mosaic.version = 14 : i64} {
  func.func @_p3_body(%arg0: i32, %arg1: memref<1x600x768xf32, #tpu.memory_space<vmem>>, %arg2: memref<768x768xf32, #tpu.memory_space<vmem>>, %arg3: memref<1x768xf32, #tpu.memory_space<vmem>>, %arg4: memref<768x768xf32, #tpu.memory_space<vmem>>, %arg5: memref<1x600x768xf32, #tpu.memory_space<vmem>>) attributes {dimension_semantics = [#tpu.dimension_semantics<arbitrary>], iteration_bounds = array<i64: 4>, scalar_prefetch = 0 : i64, scratch_operands = 0 : i64, tpu.core_type = #tpu.core_type<tc>, window_params = [{transform_indices = @transform_0, window_bounds = array<i64: 1, 600, 768>}, {pipeline_mode = #tpu.pipeline_mode<synchronous>, transform_indices = @transform_1, window_bounds = array<i64: 768, 768>}, {pipeline_mode = #tpu.pipeline_mode<synchronous>, transform_indices = @transform_2, window_bounds = array<i64: 1, 768>}, {pipeline_mode = #tpu.pipeline_mode<synchronous>, transform_indices = @transform_3, window_bounds = array<i64: 768, 768>}, {transform_indices = @transform_4, window_bounds = array<i64: 1, 600, 768>}]} {
    %get3A = arith.constant 0 : index
    %get3A_0 = arith.constant 0 : index
    %get3A_1 = arith.constant 0 : index
    %get3A_2 = vector.load %arg1[%get3A, %get3A_0, %get3A_1] : memref<1x600x768xf32, #tpu.memory_space<vmem>>, vector<1x600x768xf32>
    %get3A_3 = vector.shape_cast %get3A_2 : vector<1x600x768xf32> to vector<600x768xf32>
    %get3A_4 = arith.constant 0 : index
    %get3A_5 = arith.constant 0 : index
    %get3A_6 = vector.load %arg2[%get3A_4, %get3A_5] : memref<768x768xf32, #tpu.memory_space<vmem>>, vector<768x768xf32>
    %convert_element_type3A = arith.truncf %get3A_3 : vector<600x768xf32> to vector<600x768xbf16>
    %convert_element_type3A_7 = arith.truncf %get3A_6 : vector<768x768xf32> to vector<768x768xbf16>
    %dot_general3A = arith.constant dense<0.000000e+00> : vector<600x768xf32>
    %dot_general3A_8 = tpu.matmul %convert_element_type3A, %convert_element_type3A_7, %dot_general3A {dimension_numbers = #tpu.dot_dimension_numbers<[1], [1], [0], [0], [0, 0, 1, 0], [], []>, transpose_lhs_hint = false} : vector<600x768xbf16>, vector<768x768xbf16>, vector<600x768xf32> -> vector<600x768xf32>
    %get3A_9 = arith.constant 0 : index
    %get3A_10 = arith.constant 0 : index
    %get3A_11 = vector.load %arg3[%get3A_9, %get3A_10] : memref<1x768xf32, #tpu.memory_space<vmem>>, vector<1x768xf32>
    %add3A = vector.broadcast %get3A_11 : vector<1x768xf32> to vector<600x768xf32>
    %add3A_12 = arith.addf %dot_general3A_8, %add3A : vector<600x768xf32>
    %iota3A = tpu.iota {dimensions = array<i32: 0>} : vector<600x768xi32>
    %jit3A = arith.constant 50 : i32
    %div3A = vector.broadcast %jit3A : i32 to vector<600x768xi32>
    %div3A_13 = arith.divsi %iota3A, %div3A : vector<600x768xi32>
    %sign3A = arith.constant 0 : i32
    %sign3A_14 = vector.broadcast %sign3A : i32 to vector<600x768xi32>
    %sign3A_15 = arith.cmpi sgt, %iota3A, %sign3A_14 : vector<600x768xi32>
    %sign3A_16 = arith.extui %sign3A_15 : vector<600x768xi1> to vector<600x768xi32>
    %sign3A_17 = arith.constant 0 : i32
    %sign3A_18 = vector.broadcast %sign3A_17 : i32 to vector<600x768xi32>
    %sign3A_19 = arith.cmpi slt, %iota3A, %sign3A_18 : vector<600x768xi32>
    %sign3A_20 = arith.extui %sign3A_19 : vector<600x768xi1> to vector<600x768xi32>
    %sign3A_21 = arith.subi %sign3A_16, %sign3A_20 : vector<600x768xi32>
    %sign3A_22 = arith.constant 0 : i32
    %sign3A_23 = arith.cmpi sgt, %jit3A, %sign3A_22 : i32
    %sign3A_24 = arith.extui %sign3A_23 : i1 to i32
    %sign3A_25 = arith.constant 0 : i32
    %sign3A_26 = arith.cmpi slt, %jit3A, %sign3A_25 : i32
    %sign3A_27 = arith.extui %sign3A_26 : i1 to i32
    %sign3A_28 = arith.subi %sign3A_24, %sign3A_27 : i32
    %ne3A = vector.broadcast %sign3A_28 : i32 to vector<600x768xi32>
    %ne3A_29 = arith.cmpi ne, %sign3A_21, %ne3A : vector<600x768xi32>
    %rem3A = vector.broadcast %jit3A : i32 to vector<600x768xi32>
    %rem3A_30 = arith.remsi %iota3A, %rem3A : vector<600x768xi32>
    %ne3A_31 = arith.constant 0 : i32
    %ne3A_32 = vector.broadcast %ne3A_31 : i32 to vector<600x768xi32>
    %ne3A_33 = arith.cmpi ne, %rem3A_30, %ne3A_32 : vector<600x768xi32>
    %and3A = arith.andi %ne3A_29, %ne3A_33 : vector<600x768xi1>
    %sub3A = arith.constant 1 : i32
    %sub3A_34 = vector.broadcast %sub3A : i32 to vector<600x768xi32>
    %sub3A_35 = arith.subi %div3A_13, %sub3A_34 : vector<600x768xi32>
    %select_n3A = arith.select %and3A, %sub3A_35, %div3A_13 : vector<600x768xi1>, vector<600x768xi32>
    %iota3A_36 = tpu.iota {dimensions = array<i32: 1>} : vector<600x768xi32>
    %jit3A_37 = arith.constant 64 : i32
    %div3A_38 = vector.broadcast %jit3A_37 : i32 to vector<600x768xi32>
    %div3A_39 = arith.divsi %iota3A_36, %div3A_38 : vector<600x768xi32>
    %sign3A_40 = arith.constant 0 : i32
    %sign3A_41 = vector.broadcast %sign3A_40 : i32 to vector<600x768xi32>
    %sign3A_42 = arith.cmpi sgt, %iota3A_36, %sign3A_41 : vector<600x768xi32>
    %sign3A_43 = arith.extui %sign3A_42 : vector<600x768xi1> to vector<600x768xi32>
    %sign3A_44 = arith.constant 0 : i32
    %sign3A_45 = vector.broadcast %sign3A_44 : i32 to vector<600x768xi32>
    %sign3A_46 = arith.cmpi slt, %iota3A_36, %sign3A_45 : vector<600x768xi32>
    %sign3A_47 = arith.extui %sign3A_46 : vector<600x768xi1> to vector<600x768xi32>
    %sign3A_48 = arith.subi %sign3A_43, %sign3A_47 : vector<600x768xi32>
    %sign3A_49 = arith.constant 0 : i32
    %sign3A_50 = arith.cmpi sgt, %jit3A_37, %sign3A_49 : i32
    %sign3A_51 = arith.extui %sign3A_50 : i1 to i32
    %sign3A_52 = arith.constant 0 : i32
    %sign3A_53 = arith.cmpi slt, %jit3A_37, %sign3A_52 : i32
    %sign3A_54 = arith.extui %sign3A_53 : i1 to i32
    %sign3A_55 = arith.subi %sign3A_51, %sign3A_54 : i32
    %ne3A_56 = vector.broadcast %sign3A_55 : i32 to vector<600x768xi32>
    %ne3A_57 = arith.cmpi ne, %sign3A_48, %ne3A_56 : vector<600x768xi32>
    %rem3A_58 = vector.broadcast %jit3A_37 : i32 to vector<600x768xi32>
    %rem3A_59 = arith.remsi %iota3A_36, %rem3A_58 : vector<600x768xi32>
    %ne3A_60 = arith.constant 0 : i32
    %ne3A_61 = vector.broadcast %ne3A_60 : i32 to vector<600x768xi32>
    %ne3A_62 = arith.cmpi ne, %rem3A_59, %ne3A_61 : vector<600x768xi32>
    %and3A_63 = arith.andi %ne3A_57, %ne3A_62 : vector<600x768xi1>
    %sub3A_64 = arith.constant 1 : i32
    %sub3A_65 = vector.broadcast %sub3A_64 : i32 to vector<600x768xi32>
    %sub3A_66 = arith.subi %div3A_39, %sub3A_65 : vector<600x768xi32>
    %select_n3A_67 = arith.select %and3A_63, %sub3A_66, %div3A_39 : vector<600x768xi1>, vector<600x768xi32>
    %eq3A = arith.cmpi eq, %select_n3A, %select_n3A_67 : vector<600x768xi32>
    %jit3A_68 = arith.constant 0.000000e+00 : f32
    %broadcast_in_dim3A = vector.broadcast %jit3A_68 : f32 to vector<600x768xf32>
    %select_n3A_69 = arith.select %eq3A, %add3A_12, %broadcast_in_dim3A : vector<600x768xi1>, vector<600x768xf32>
    %get3A_70 = arith.constant 0 : index
    %get3A_71 = arith.constant 0 : index
    %get3A_72 = vector.load %arg4[%get3A_70, %get3A_71] : memref<768x768xf32, #tpu.memory_space<vmem>>, vector<768x768xf32>
    %convert_element_type3A_73 = arith.truncf %select_n3A_69 : vector<600x768xf32> to vector<600x768xbf16>
    %convert_element_type3A_74 = arith.truncf %get3A_72 : vector<768x768xf32> to vector<768x768xbf16>
    %dot_general3A_75 = arith.constant dense<0.000000e+00> : vector<600x768xf32>
    %dot_general3A_76 = tpu.matmul %convert_element_type3A_73, %convert_element_type3A_74, %dot_general3A_75 {dimension_numbers = #tpu.dot_dimension_numbers<[1], [0], [0], [1], [0, 0, 1, 1], [], []>, transpose_lhs_hint = false} : vector<600x768xbf16>, vector<768x768xbf16>, vector<600x768xf32> -> vector<600x768xf32>
    %mul3A = arith.constant 1.250000e-01 : f32
    %mul3A_77 = vector.broadcast %mul3A : f32 to vector<600x768xf32>
    %mul3A_78 = arith.mulf %dot_general3A_76, %mul3A_77 : vector<600x768xf32>
    %swap3A = arith.constant 0 : index
    %swap3A_79 = arith.constant 0 : index
    %swap3A_80 = arith.constant 0 : index
    %swap3A_81 = vector.load %arg5[%swap3A, %swap3A_79, %swap3A_80] : memref<1x600x768xf32, #tpu.memory_space<vmem>>, vector<1x600x768xf32>
    %swap3A_82 = vector.shape_cast %swap3A_81 : vector<1x600x768xf32> to vector<600x768xf32>
    %swap3A_83 = vector.shape_cast %mul3A_78 : vector<600x768xf32> to vector<1x600x768xf32>
    tpu.vector_store %arg5[%swap3A, %swap3A_79, %swap3A_80], %swap3A_83 {strides = array<i32>} : memref<1x600x768xf32, #tpu.memory_space<vmem>>, vector<1x600x768xf32>,
    return
  }
  func.func @transform_0(%arg0: i32) -> (i32, i32, i32) {
    %c0_i32 = arith.constant 0 : i32
    %c0_i32_0 = arith.constant 0 : i32
    %c0_i32_1 = arith.constant 0 : i32
    return %arg0, %c0_i32, %c0_i32_0 : i32, i32, i32
  }
  func.func @transform_1(%arg0: i32) -> (i32, i32) {
    %c0_i32 = arith.constant 0 : i32
    %c0_i32_0 = arith.constant 0 : i32
    %c0_i32_1 = arith.constant 0 : i32
    return %c0_i32, %c0_i32_0 : i32, i32
  }
  func.func @transform_2(%arg0: i32) -> (i32, i32) {
    %c0_i32 = arith.constant 0 : i32
    %c0_i32_0 = arith.constant 0 : i32
    %c0_i32_1 = arith.constant 0 : i32
    return %c0_i32, %c0_i32_0 : i32, i32
  }
  func.func @transform_3(%arg0: i32) -> (i32, i32) {
    %c0_i32 = arith.constant 0 : i32
    %c0_i32_0 = arith.constant 0 : i32
    %c0_i32_1 = arith.constant 0 : i32
    return %c0_i32, %c0_i32_0 : i32, i32
  }
  func.func @transform_4(%arg0: i32) -> (i32, i32, i32) {
    %c0_i32 = arith.constant 0 : i32
    %c0_i32_0 = arith.constant 0 : i32
    %c0_i32_1 = arith.constant 0 : i32
    return %arg0, %c0_i32, %c0_i32_0 : i32, i32, i32
  }
}

module attributes {stable_mosaic.version = 14 : i64} {
  func.func @_p4_body(%arg0: i32, %arg1: i32, %arg2: memref<1x600x768xf32, #tpu.memory_space<vmem>>, %arg3: memref<1x1024x768xf32, #tpu.memory_space<vmem>>, %arg4: memref<1x1024x768xf32, #tpu.memory_space<vmem>>, %arg5: memref<1x600x768xf32, #tpu.memory_space<vmem>>, %arg6: memref<1x8x768xf32, #tpu.memory_space<vmem>>, %arg7: memref<600x768xf32, #tpu.memory_space<vmem>>, %arg8: memref<600x1xf32, #tpu.memory_space<vmem>>, %arg9: memref<600x1xf32, #tpu.memory_space<vmem>>, %arg10: memref<8x768xf32, #tpu.memory_space<vmem>>) attributes {dimension_semantics = [#tpu.dimension_semantics<arbitrary>, #tpu.dimension_semantics<arbitrary>], iteration_bounds = array<i64: 4, 8>, scalar_prefetch = 0 : i64, scratch_operands = 4 : i64, tpu.core_type = #tpu.core_type<tc>, window_params = [{transform_indices = @transform_0, window_bounds = array<i64: 1, 600, 768>}, {transform_indices = @transform_1, window_bounds = array<i64: 1, 1024, 768>}, {transform_indices = @transform_2, window_bounds = array<i64: 1, 1024, 768>}, {transform_indices = @transform_3, window_bounds = array<i64: 1, 600, 768>}, {transform_indices = @transform_4, window_bounds = array<i64: 1, 8, 768>}]} {
    %eq3A = arith.constant 0 : i32
    %eq3A_0 = arith.cmpi eq, %arg1, %eq3A : i32
    %convert_element_type3A = arith.extui %eq3A_0 : i1 to i32
    %cond3A = arith.constant 0 : i32
    %cond3A_1 = arith.cmpi ne, %convert_element_type3A, %cond3A : i32
    scf.if %cond3A_1 {
      %broadcast_in_dim3A_69 = arith.constant 0.000000e+00 : f32
      %broadcast_in_dim3A_70 = vector.broadcast %broadcast_in_dim3A_69 : f32 to vector<600x768xf32>
      %swap3A_71 = arith.constant 0 : index
      %swap3A_72 = arith.constant 0 : index
      %swap3A_73 = vector.load %arg7[%swap3A_71, %swap3A_72] : memref<600x768xf32, #tpu.memory_space<vmem>>, vector<600x768xf32>
      tpu.vector_store %arg7[%swap3A_71, %swap3A_72], %broadcast_in_dim3A_70 {strides = array<i32>} : memref<600x768xf32, #tpu.memory_space<vmem>>, vector<600x768xf32>,
      %broadcast_in_dim3A_74 = arith.constant -3.000000e+38 : f32
      %broadcast_in_dim3A_75 = vector.broadcast %broadcast_in_dim3A_74 : f32 to vector<600x1xf32>
      %swap3A_76 = arith.constant 0 : index
      %swap3A_77 = arith.constant 0 : index
      %swap3A_78 = vector.load %arg8[%swap3A_76, %swap3A_77] : memref<600x1xf32, #tpu.memory_space<vmem>>, vector<600x1xf32>
      tpu.vector_store %arg8[%swap3A_76, %swap3A_77], %broadcast_in_dim3A_75 {strides = array<i32>} : memref<600x1xf32, #tpu.memory_space<vmem>>, vector<600x1xf32>,
      %broadcast_in_dim3A_79 = arith.constant 0.000000e+00 : f32
      %broadcast_in_dim3A_80 = vector.broadcast %broadcast_in_dim3A_79 : f32 to vector<600x1xf32>
      %swap3A_81 = arith.constant 0 : index
      %swap3A_82 = arith.constant 0 : index
      %swap3A_83 = vector.load %arg9[%swap3A_81, %swap3A_82] : memref<600x1xf32, #tpu.memory_space<vmem>>, vector<600x1xf32>
      tpu.vector_store %arg9[%swap3A_81, %swap3A_82], %broadcast_in_dim3A_80 {strides = array<i32>} : memref<600x1xf32, #tpu.memory_space<vmem>>, vector<600x1xf32>,
      %broadcast_in_dim3A_84 = arith.constant 0.000000e+00 : f32
      %broadcast_in_dim3A_85 = vector.broadcast %broadcast_in_dim3A_84 : f32 to vector<8x768xf32>
      %swap3A_86 = arith.constant 0 : index
      %swap3A_87 = arith.constant 0 : index
      %swap3A_88 = vector.load %arg10[%swap3A_86, %swap3A_87] : memref<8x768xf32, #tpu.memory_space<vmem>>, vector<8x768xf32>
      tpu.vector_store %arg10[%swap3A_86, %swap3A_87], %broadcast_in_dim3A_85 {strides = array<i32>} : memref<8x768xf32, #tpu.memory_space<vmem>>, vector<8x768xf32>,
    } else {
    }
    %get3A = arith.constant 0 : index
    %get3A_2 = arith.constant 0 : index
    %get3A_3 = arith.constant 0 : index
    %get3A_4 = vector.load %arg2[%get3A, %get3A_2, %get3A_3] : memref<1x600x768xf32, #tpu.memory_space<vmem>>, vector<1x600x768xf32>
    %get3A_5 = vector.shape_cast %get3A_4 : vector<1x600x768xf32> to vector<600x768xf32>
    %get3A_6 = arith.constant 0 : index
    %get3A_7 = arith.constant 0 : index
    %get3A_8 = arith.constant 0 : index
    %get3A_9 = vector.load %arg3[%get3A_6, %get3A_7, %get3A_8] : memref<1x1024x768xf32, #tpu.memory_space<vmem>>, vector<1x1024x768xf32>
    %get3A_10 = vector.shape_cast %get3A_9 : vector<1x1024x768xf32> to vector<1024x768xf32>
    %convert_element_type3A_11 = arith.truncf %get3A_5 : vector<600x768xf32> to vector<600x768xbf16>
    %convert_element_type3A_12 = arith.truncf %get3A_10 : vector<1024x768xf32> to vector<1024x768xbf16>
    %dot_general3A = arith.constant dense<0.000000e+00> : vector<600x1024xf32>
    %dot_general3A_13 = tpu.matmul %convert_element_type3A_11, %convert_element_type3A_12, %dot_general3A {dimension_numbers = #tpu.dot_dimension_numbers<[1], [1], [0], [0], [0, 0, 1, 0], [], []>, transpose_lhs_hint = false} : vector<600x768xbf16>, vector<1024x768xbf16>, vector<600x1024xf32> -> vector<600x1024xf32>
    %get3A_14 = arith.constant 0 : index
    %get3A_15 = arith.constant 0 : index
    %get3A_16 = vector.load %arg8[%get3A_14, %get3A_15] : memref<600x1xf32, #tpu.memory_space<vmem>>, vector<600x1xf32>
    %reduce_max3A = arith.constant dense<0xFF800000> : vector<600xf32>
    %reduce_max3A_17 = vector.multi_reduction <maximumf>, %dot_general3A_13, %reduce_max3A [1] : vector<600x1024xf32> to vector<600xf32>
    %broadcast_in_dim3A = vector.shape_cast %reduce_max3A_17 : vector<600xf32> to vector<600x1xf32>
    %max3A = arith.maximumf %get3A_16, %broadcast_in_dim3A : vector<600x1xf32>
    %sub3A = arith.subf %get3A_16, %max3A : vector<600x1xf32>
    %exp3A = math.exp %sub3A : vector<600x1xf32>
    %sub3A_18 = vector.broadcast %max3A : vector<600x1xf32> to vector<600x1024xf32>
    %sub3A_19 = arith.subf %dot_general3A_13, %sub3A_18 : vector<600x1024xf32>
    %exp3A_20 = math.exp %sub3A_19 : vector<600x1024xf32>
    %get3A_21 = arith.constant 0 : index
    %get3A_22 = arith.constant 0 : index
    %get3A_23 = vector.load %arg9[%get3A_21, %get3A_22] : memref<600x1xf32, #tpu.memory_space<vmem>>, vector<600x1xf32>
    %mul3A = arith.mulf %get3A_23, %exp3A : vector<600x1xf32>
    %reduce_sum3A = arith.constant dense<0.000000e+00> : vector<600xf32>
    %reduce_sum3A_24 = vector.multi_reduction <add>, %exp3A_20, %reduce_sum3A [1] : vector<600x1024xf32> to vector<600xf32>
    %broadcast_in_dim3A_25 = vector.shape_cast %reduce_sum3A_24 : vector<600xf32> to vector<600x1xf32>
    %add3A = arith.addf %mul3A, %broadcast_in_dim3A_25 : vector<600x1xf32>
    %swap3A = arith.constant 0 : index
    %swap3A_26 = arith.constant 0 : index
    %swap3A_27 = vector.load %arg9[%swap3A, %swap3A_26] : memref<600x1xf32, #tpu.memory_space<vmem>>, vector<600x1xf32>
    tpu.vector_store %arg9[%swap3A, %swap3A_26], %add3A {strides = array<i32>} : memref<600x1xf32, #tpu.memory_space<vmem>>, vector<600x1xf32>,
    %swap3A_28 = arith.constant 0 : index
    %swap3A_29 = arith.constant 0 : index
    %swap3A_30 = vector.load %arg8[%swap3A_28, %swap3A_29] : memref<600x1xf32, #tpu.memory_space<vmem>>, vector<600x1xf32>
    tpu.vector_store %arg8[%swap3A_28, %swap3A_29], %max3A {strides = array<i32>} : memref<600x1xf32, #tpu.memory_space<vmem>>, vector<600x1xf32>,
    %get3A_31 = arith.constant 0 : index
    %get3A_32 = arith.constant 0 : index
    %get3A_33 = vector.load %arg7[%get3A_31, %get3A_32] : memref<600x768xf32, #tpu.memory_space<vmem>>, vector<600x768xf32>
    %mul3A_34 = vector.broadcast %exp3A : vector<600x1xf32> to vector<600x768xf32>
    %mul3A_35 = arith.mulf %get3A_33, %mul3A_34 : vector<600x768xf32>
    %get3A_36 = arith.constant 0 : index
    %get3A_37 = arith.constant 0 : index
    %get3A_38 = arith.constant 0 : index
    %get3A_39 = vector.load %arg4[%get3A_36, %get3A_37, %get3A_38] : memref<1x1024x768xf32, #tpu.memory_space<vmem>>, vector<1x1024x768xf32>
    %get3A_40 = vector.shape_cast %get3A_39 : vector<1x1024x768xf32> to vector<1024x768xf32>
    %convert_element_type3A_41 = arith.truncf %exp3A_20 : vector<600x1024xf32> to vector<600x1024xbf16>
    %convert_element_type3A_42 = arith.truncf %get3A_40 : vector<1024x768xf32> to vector<1024x768xbf16>
    %dot_general3A_43 = arith.constant dense<0.000000e+00> : vector<600x768xf32>
    %dot_general3A_44 = tpu.matmul %convert_element_type3A_41, %convert_element_type3A_42, %dot_general3A_43 {dimension_numbers = #tpu.dot_dimension_numbers<[1], [0], [0], [1], [0, 0, 1, 1], [], []>, transpose_lhs_hint = false} : vector<600x1024xbf16>, vector<1024x768xbf16>, vector<600x768xf32> -> vector<600x768xf32>
    %add3A_45 = arith.addf %mul3A_35, %dot_general3A_44 : vector<600x768xf32>
    %swap3A_46 = arith.constant 0 : index
    %swap3A_47 = arith.constant 0 : index
    %swap3A_48 = vector.load %arg7[%swap3A_46, %swap3A_47] : memref<600x768xf32, #tpu.memory_space<vmem>>, vector<600x768xf32>
    tpu.vector_store %arg7[%swap3A_46, %swap3A_47], %add3A_45 {strides = array<i32>} : memref<600x768xf32, #tpu.memory_space<vmem>>, vector<600x768xf32>,
    %get3A_49 = arith.constant 0 : index
    %get3A_50 = arith.constant 0 : index
    %get3A_51 = vector.load %arg10[%get3A_49, %get3A_50] : memref<8x768xf32, #tpu.memory_space<vmem>>, vector<1x768xf32>
    %get3A_52 = arith.constant 0 : index
    %get3A_53 = arith.constant 0 : index
    %get3A_54 = arith.constant 0 : index
    %get3A_55 = vector.load %arg4[%get3A_52, %get3A_53, %get3A_54] : memref<1x1024x768xf32, #tpu.memory_space<vmem>>, vector<1x1024x768xf32>
    %get3A_56 = vector.shape_cast %get3A_55 : vector<1x1024x768xf32> to vector<1024x768xf32>
    %reduce_sum3A_57 = arith.constant dense<0.000000e+00> : vector<768xf32>
    %reduce_sum3A_58 = vector.multi_reduction <add>, %get3A_56, %reduce_sum3A_57 [0] : vector<1024x768xf32> to vector<768xf32>
    %broadcast_in_dim3A_59 = vector.shape_cast %reduce_sum3A_58 : vector<768xf32> to vector<1x768xf32>
    %add3A_60 = arith.addf %get3A_51, %broadcast_in_dim3A_59 : vector<1x768xf32>
    %swap3A_61 = arith.constant 0 : index
    %swap3A_62 = arith.constant 0 : index
    %swap3A_63 = vector.load %arg10[%swap3A_61, %swap3A_62] : memref<8x768xf32, #tpu.memory_space<vmem>>, vector<1x768xf32>
    tpu.vector_store %arg10[%swap3A_61, %swap3A_62], %add3A_60 {strides = array<i32>} : memref<8x768xf32, #tpu.memory_space<vmem>>, vector<1x768xf32>,
    %eq3A_64 = arith.constant 7 : i32
    %eq3A_65 = arith.cmpi eq, %arg1, %eq3A_64 : i32
    %convert_element_type3A_66 = arith.extui %eq3A_65 : i1 to i32
    %cond3A_67 = arith.constant 0 : i32
    %cond3A_68 = arith.cmpi ne, %convert_element_type3A_66, %cond3A_67 : i32
    scf.if %cond3A_68 {
      %get3A_69 = arith.constant 0 : index
      %get3A_70 = arith.constant 0 : index
      %get3A_71 = vector.load %arg7[%get3A_69, %get3A_70] : memref<600x768xf32, #tpu.memory_space<vmem>>, vector<600x768xf32>
      %get3A_72 = arith.constant 0 : index
      %get3A_73 = arith.constant 0 : index
      %get3A_74 = vector.load %arg9[%get3A_72, %get3A_73] : memref<600x1xf32, #tpu.memory_space<vmem>>, vector<600x1xf32>
      %div3A = vector.broadcast %get3A_74 : vector<600x1xf32> to vector<600x768xf32>
      %div3A_75 = arith.divf %get3A_71, %div3A : vector<600x768xf32>
      %swap3A_76 = arith.constant 0 : index
      %swap3A_77 = arith.constant 0 : index
      %swap3A_78 = arith.constant 0 : index
      %swap3A_79 = vector.load %arg5[%swap3A_76, %swap3A_77, %swap3A_78] : memref<1x600x768xf32, #tpu.memory_space<vmem>>, vector<1x600x768xf32>
      %swap3A_80 = vector.shape_cast %swap3A_79 : vector<1x600x768xf32> to vector<600x768xf32>
      %swap3A_81 = vector.shape_cast %div3A_75 : vector<600x768xf32> to vector<1x600x768xf32>
      tpu.vector_store %arg5[%swap3A_76, %swap3A_77, %swap3A_78], %swap3A_81 {strides = array<i32>} : memref<1x600x768xf32, #tpu.memory_space<vmem>>, vector<1x600x768xf32>,
      %get3A_82 = arith.constant 0 : index
      %get3A_83 = arith.constant 0 : index
      %get3A_84 = vector.load %arg10[%get3A_82, %get3A_83] : memref<8x768xf32, #tpu.memory_space<vmem>>, vector<8x768xf32>
      %swap3A_85 = arith.constant 0 : index
      %swap3A_86 = arith.constant 0 : index
      %swap3A_87 = arith.constant 0 : index
      %swap3A_88 = vector.load %arg6[%swap3A_85, %swap3A_86, %swap3A_87] : memref<1x8x768xf32, #tpu.memory_space<vmem>>, vector<1x8x768xf32>
      %swap3A_89 = vector.shape_cast %swap3A_88 : vector<1x8x768xf32> to vector<8x768xf32>
      %swap3A_90 = vector.shape_cast %get3A_84 : vector<8x768xf32> to vector<1x8x768xf32>
      tpu.vector_store %arg6[%swap3A_85, %swap3A_86, %swap3A_87], %swap3A_90 {strides = array<i32>} : memref<1x8x768xf32, #tpu.memory_space<vmem>>, vector<1x8x768xf32>,
    } else {
    }
    return
  }
  func.func @transform_0(%arg0: i32, %arg1: i32) -> (i32, i32, i32) {
    %c0_i32 = arith.constant 0 : i32
    %c0_i32_0 = arith.constant 0 : i32
    %c0_i32_1 = arith.constant 0 : i32
    return %arg0, %c0_i32, %c0_i32_0 : i32, i32, i32
  }
  func.func @transform_1(%arg0: i32, %arg1: i32) -> (i32, i32, i32) {
    %c0_i32 = arith.constant 0 : i32
    %c0_i32_0 = arith.constant 0 : i32
    return %arg0, %arg1, %c0_i32 : i32, i32, i32
  }
  func.func @transform_2(%arg0: i32, %arg1: i32) -> (i32, i32, i32) {
    %c0_i32 = arith.constant 0 : i32
    %c0_i32_0 = arith.constant 0 : i32
    return %arg0, %arg1, %c0_i32 : i32, i32, i32
  }
  func.func @transform_3(%arg0: i32, %arg1: i32) -> (i32, i32, i32) {
    %c0_i32 = arith.constant 0 : i32
    %c0_i32_0 = arith.constant 0 : i32
    %c0_i32_1 = arith.constant 0 : i32
    return %arg0, %c0_i32, %c0_i32_0 : i32, i32, i32
  }
  func.func @transform_4(%arg0: i32, %arg1: i32) -> (i32, i32, i32) {
    %c0_i32 = arith.constant 0 : i32
    %c0_i32_0 = arith.constant 0 : i32
    %c0_i32_1 = arith.constant 0 : i32
    return %arg0, %c0_i32, %c0_i32_0 : i32, i32, i32
  }
}

module attributes {stable_mosaic.version = 14 : i64} {
  func.func @_p6_body(%arg0: i32, %arg1: memref<1x600x768xf32, #tpu.memory_space<vmem>>, %arg2: memref<1x8x768xf32, #tpu.memory_space<vmem>>, %arg3: memref<768x768xf32, #tpu.memory_space<vmem>>, %arg4: memref<1x768xf32, #tpu.memory_space<vmem>>, %arg5: memref<768x768xf32, #tpu.memory_space<vmem>>, %arg6: memref<1x768xf32, #tpu.memory_space<vmem>>, %arg7: memref<1x600x768xf32, #tpu.memory_space<vmem>>, %arg8: memref<1x1x768xf32, #tpu.memory_space<vmem>>) attributes {dimension_semantics = [#tpu.dimension_semantics<arbitrary>], iteration_bounds = array<i64: 4>, scalar_prefetch = 0 : i64, scratch_operands = 0 : i64, tpu.core_type = #tpu.core_type<tc>, window_params = [{transform_indices = @transform_0, window_bounds = array<i64: 1, 600, 768>}, {transform_indices = @transform_1, window_bounds = array<i64: 1, 8, 768>}, {pipeline_mode = #tpu.pipeline_mode<synchronous>, transform_indices = @transform_2, window_bounds = array<i64: 768, 768>}, {pipeline_mode = #tpu.pipeline_mode<synchronous>, transform_indices = @transform_3, window_bounds = array<i64: 1, 768>}, {pipeline_mode = #tpu.pipeline_mode<synchronous>, transform_indices = @transform_4, window_bounds = array<i64: 768, 768>}, {pipeline_mode = #tpu.pipeline_mode<synchronous>, transform_indices = @transform_5, window_bounds = array<i64: 1, 768>}, {transform_indices = @transform_6, window_bounds = array<i64: 1, 600, 768>}, {transform_indices = @transform_7, window_bounds = array<i64: 1, 1, 768>}]} {
    %get3A = arith.constant 0 : index
    %get3A_0 = arith.constant 0 : index
    %get3A_1 = arith.constant 0 : index
    %get3A_2 = vector.load %arg2[%get3A, %get3A_0, %get3A_1] : memref<1x8x768xf32, #tpu.memory_space<vmem>>, vector<1x1x768xf32>
    %get3A_3 = vector.shape_cast %get3A_2 : vector<1x1x768xf32> to vector<1x768xf32>
    %mul3A = arith.constant 1.22070313E-4 : f32
    %mul3A_4 = vector.broadcast %mul3A : f32 to vector<1x768xf32>
    %mul3A_5 = arith.mulf %get3A_3, %mul3A_4 : vector<1x768xf32>
    %get3A_6 = arith.constant 0 : index
    %get3A_7 = arith.constant 0 : index
    %get3A_8 = vector.load %arg3[%get3A_6, %get3A_7] : memref<768x768xf32, #tpu.memory_space<vmem>>, vector<768x768xf32>
    %convert_element_type3A = arith.truncf %mul3A_5 : vector<1x768xf32> to vector<1x768xbf16>
    %convert_element_type3A_9 = arith.truncf %get3A_8 : vector<768x768xf32> to vector<768x768xbf16>
    %dot_general3A = arith.constant dense<0.000000e+00> : vector<1x768xf32>
    %dot_general3A_10 = tpu.matmul %convert_element_type3A, %convert_element_type3A_9, %dot_general3A {dimension_numbers = #tpu.dot_dimension_numbers<[1], [1], [0], [0], [0, 0, 1, 0], [], []>, transpose_lhs_hint = false} : vector<1x768xbf16>, vector<768x768xbf16>, vector<1x768xf32> -> vector<1x768xf32>
    %get3A_11 = arith.constant 0 : index
    %get3A_12 = arith.constant 0 : index
    %get3A_13 = vector.load %arg4[%get3A_11, %get3A_12] : memref<1x768xf32, #tpu.memory_space<vmem>>, vector<1x768xf32>
    %add3A = arith.addf %dot_general3A_10, %get3A_13 : vector<1x768xf32>
    %convert_element_type3A_14 = arith.truncf %add3A : vector<1x768xf32> to vector<1x768xbf16>
    %convert_element_type3A_15 = arith.extf %convert_element_type3A_14 : vector<1x768xbf16> to vector<1x768xf32>
    %get3A_16 = arith.constant 0 : index
    %get3A_17 = arith.constant 0 : index
    %get3A_18 = arith.constant 0 : index
    %get3A_19 = vector.load %arg1[%get3A_16, %get3A_17, %get3A_18] : memref<1x600x768xf32, #tpu.memory_space<vmem>>, vector<1x600x768xf32>
    %get3A_20 = vector.shape_cast %get3A_19 : vector<1x600x768xf32> to vector<600x768xf32>
    %get3A_21 = arith.constant 0 : index
    %get3A_22 = arith.constant 0 : index
    %get3A_23 = vector.load %arg3[%get3A_21, %get3A_22] : memref<768x768xf32, #tpu.memory_space<vmem>>, vector<768x768xf32>
    %convert_element_type3A_24 = arith.truncf %get3A_20 : vector<600x768xf32> to vector<600x768xbf16>
    %convert_element_type3A_25 = arith.truncf %get3A_23 : vector<768x768xf32> to vector<768x768xbf16>
    %dot_general3A_26 = arith.constant dense<0.000000e+00> : vector<600x768xf32>
    %dot_general3A_27 = tpu.matmul %convert_element_type3A_24, %convert_element_type3A_25, %dot_general3A_26 {dimension_numbers = #tpu.dot_dimension_numbers<[1], [1], [0], [0], [0, 0, 1, 0], [], []>, transpose_lhs_hint = false} : vector<600x768xbf16>, vector<768x768xbf16>, vector<600x768xf32> -> vector<600x768xf32>
    %get3A_28 = arith.constant 0 : index
    %get3A_29 = arith.constant 0 : index
    %get3A_30 = vector.load %arg4[%get3A_28, %get3A_29] : memref<1x768xf32, #tpu.memory_space<vmem>>, vector<1x768xf32>
    %add3A_31 = vector.broadcast %get3A_30 : vector<1x768xf32> to vector<600x768xf32>
    %add3A_32 = arith.addf %dot_general3A_27, %add3A_31 : vector<600x768xf32>
    %slice3A = vector.extract_strided_slice %add3A_32 {offsets = [0, 0], sizes = [50, 64], strides = [1, 1]} : vector<600x768xf32> to vector<50x64xf32>
    %convert_element_type3A_33 = arith.truncf %slice3A : vector<50x64xf32> to vector<50x64xbf16>
    %convert_element_type3A_34 = arith.extf %convert_element_type3A_33 : vector<50x64xbf16> to vector<50x64xf32>
    %slice3A_35 = vector.extract_strided_slice %convert_element_type3A_15 {offsets = [0, 0], sizes = [1, 64], strides = [1, 1]} : vector<1x768xf32> to vector<1x64xf32>
    %sub3A = vector.broadcast %slice3A_35 : vector<1x64xf32> to vector<50x64xf32>
    %sub3A_36 = arith.subf %convert_element_type3A_34, %sub3A : vector<50x64xf32>
    %get3A_37 = arith.constant 0 : index
    %get3A_38 = arith.constant 0 : index
    %get3A_39 = vector.load %arg5[%get3A_37, %get3A_38] : memref<768x768xf32, #tpu.memory_space<vmem>>, vector<768x64xf32>
    %convert_element_type3A_40 = arith.truncf %get3A_39 : vector<768x64xf32> to vector<768x64xbf16>
    %convert_element_type3A_41 = arith.extf %convert_element_type3A_40 : vector<768x64xbf16> to vector<768x64xf32>
    %dot_general3A_42 = arith.constant dense<0.000000e+00> : vector<50x768xf32>
    %dot_general3A_43 = tpu.matmul %sub3A_36, %convert_element_type3A_41, %dot_general3A_42 {dimension_numbers = #tpu.dot_dimension_numbers<[1], [1], [0], [0], [0, 0, 1, 0], [], []>, precision = #tpu.contract_precision<fp32>, transpose_lhs_hint = false} : vector<50x64xf32>, vector<768x64xf32>, vector<50x768xf32> -> vector<50x768xf32>
    %slice3A_44 = vector.extract_strided_slice %add3A_32 {offsets = [50, 64], sizes = [50, 64], strides = [1, 1]} : vector<600x768xf32> to vector<50x64xf32>
    %convert_element_type3A_45 = arith.truncf %slice3A_44 : vector<50x64xf32> to vector<50x64xbf16>
    %convert_element_type3A_46 = arith.extf %convert_element_type3A_45 : vector<50x64xbf16> to vector<50x64xf32>
    %slice3A_47 = vector.extract_strided_slice %convert_element_type3A_15 {offsets = [0, 64], sizes = [1, 64], strides = [1, 1]} : vector<1x768xf32> to vector<1x64xf32>
    %sub3A_48 = vector.broadcast %slice3A_47 : vector<1x64xf32> to vector<50x64xf32>
    %sub3A_49 = arith.subf %convert_element_type3A_46, %sub3A_48 : vector<50x64xf32>
    %get3A_50 = arith.constant 0 : index
    %get3A_51 = arith.constant 64 : index
    %get3A_52 = vector.load %arg5[%get3A_50, %get3A_51] : memref<768x768xf32, #tpu.memory_space<vmem>>, vector<768x64xf32>
    %convert_element_type3A_53 = arith.truncf %get3A_52 : vector<768x64xf32> to vector<768x64xbf16>
    %convert_element_type3A_54 = arith.extf %convert_element_type3A_53 : vector<768x64xbf16> to vector<768x64xf32>
    %dot_general3A_55 = arith.constant dense<0.000000e+00> : vector<50x768xf32>
    %dot_general3A_56 = tpu.matmul %sub3A_49, %convert_element_type3A_54, %dot_general3A_55 {dimension_numbers = #tpu.dot_dimension_numbers<[1], [1], [0], [0], [0, 0, 1, 0], [], []>, precision = #tpu.contract_precision<fp32>, transpose_lhs_hint = false} : vector<50x64xf32>, vector<768x64xf32>, vector<50x768xf32> -> vector<50x768xf32>
    %slice3A_57 = vector.extract_strided_slice %add3A_32 {offsets = [100, 128], sizes = [50, 64], strides = [1, 1]} : vector<600x768xf32> to vector<50x64xf32>
    %convert_element_type3A_58 = arith.truncf %slice3A_57 : vector<50x64xf32> to vector<50x64xbf16>
    %convert_element_type3A_59 = arith.extf %convert_element_type3A_58 : vector<50x64xbf16> to vector<50x64xf32>
    %slice3A_60 = vector.extract_strided_slice %convert_element_type3A_15 {offsets = [0, 128], sizes = [1, 64], strides = [1, 1]} : vector<1x768xf32> to vector<1x64xf32>
    %sub3A_61 = vector.broadcast %slice3A_60 : vector<1x64xf32> to vector<50x64xf32>
    %sub3A_62 = arith.subf %convert_element_type3A_59, %sub3A_61 : vector<50x64xf32>
    %get3A_63 = arith.constant 0 : index
    %get3A_64 = arith.constant 128 : index
    %get3A_65 = vector.load %arg5[%get3A_63, %get3A_64] : memref<768x768xf32, #tpu.memory_space<vmem>>, vector<768x64xf32>
    %convert_element_type3A_66 = arith.truncf %get3A_65 : vector<768x64xf32> to vector<768x64xbf16>
    %convert_element_type3A_67 = arith.extf %convert_element_type3A_66 : vector<768x64xbf16> to vector<768x64xf32>
    %dot_general3A_68 = arith.constant dense<0.000000e+00> : vector<50x768xf32>
    %dot_general3A_69 = tpu.matmul %sub3A_62, %convert_element_type3A_67, %dot_general3A_68 {dimension_numbers = #tpu.dot_dimension_numbers<[1], [1], [0], [0], [0, 0, 1, 0], [], []>, precision = #tpu.contract_precision<fp32>, transpose_lhs_hint = false} : vector<50x64xf32>, vector<768x64xf32>, vector<50x768xf32> -> vector<50x768xf32>
    %slice3A_70 = vector.extract_strided_slice %add3A_32 {offsets = [150, 192], sizes = [50, 64], strides = [1, 1]} : vector<600x768xf32> to vector<50x64xf32>
    %convert_element_type3A_71 = arith.truncf %slice3A_70 : vector<50x64xf32> to vector<50x64xbf16>
    %convert_element_type3A_72 = arith.extf %convert_element_type3A_71 : vector<50x64xbf16> to vector<50x64xf32>
    %slice3A_73 = vector.extract_strided_slice %convert_element_type3A_15 {offsets = [0, 192], sizes = [1, 64], strides = [1, 1]} : vector<1x768xf32> to vector<1x64xf32>
    %sub3A_74 = vector.broadcast %slice3A_73 : vector<1x64xf32> to vector<50x64xf32>
    %sub3A_75 = arith.subf %convert_element_type3A_72, %sub3A_74 : vector<50x64xf32>
    %get3A_76 = arith.constant 0 : index
    %get3A_77 = arith.constant 192 : index
    %get3A_78 = vector.load %arg5[%get3A_76, %get3A_77] : memref<768x768xf32, #tpu.memory_space<vmem>>, vector<768x64xf32>
    %convert_element_type3A_79 = arith.truncf %get3A_78 : vector<768x64xf32> to vector<768x64xbf16>
    %convert_element_type3A_80 = arith.extf %convert_element_type3A_79 : vector<768x64xbf16> to vector<768x64xf32>
    %dot_general3A_81 = arith.constant dense<0.000000e+00> : vector<50x768xf32>
    %dot_general3A_82 = tpu.matmul %sub3A_75, %convert_element_type3A_80, %dot_general3A_81 {dimension_numbers = #tpu.dot_dimension_numbers<[1], [1], [0], [0], [0, 0, 1, 0], [], []>, precision = #tpu.contract_precision<fp32>, transpose_lhs_hint = false} : vector<50x64xf32>, vector<768x64xf32>, vector<50x768xf32> -> vector<50x768xf32>
    %slice3A_83 = vector.extract_strided_slice %add3A_32 {offsets = [200, 256], sizes = [50, 64], strides = [1, 1]} : vector<600x768xf32> to vector<50x64xf32>
    %convert_element_type3A_84 = arith.truncf %slice3A_83 : vector<50x64xf32> to vector<50x64xbf16>
    %convert_element_type3A_85 = arith.extf %convert_element_type3A_84 : vector<50x64xbf16> to vector<50x64xf32>
    %slice3A_86 = vector.extract_strided_slice %convert_element_type3A_15 {offsets = [0, 256], sizes = [1, 64], strides = [1, 1]} : vector<1x768xf32> to vector<1x64xf32>
    %sub3A_87 = vector.broadcast %slice3A_86 : vector<1x64xf32> to vector<50x64xf32>
    %sub3A_88 = arith.subf %convert_element_type3A_85, %sub3A_87 : vector<50x64xf32>
    %get3A_89 = arith.constant 0 : index
    %get3A_90 = arith.constant 256 : index
    %get3A_91 = vector.load %arg5[%get3A_89, %get3A_90] : memref<768x768xf32, #tpu.memory_space<vmem>>, vector<768x64xf32>
    %convert_element_type3A_92 = arith.truncf %get3A_91 : vector<768x64xf32> to vector<768x64xbf16>
    %convert_element_type3A_93 = arith.extf %convert_element_type3A_92 : vector<768x64xbf16> to vector<768x64xf32>
    %dot_general3A_94 = arith.constant dense<0.000000e+00> : vector<50x768xf32>
    %dot_general3A_95 = tpu.matmul %sub3A_88, %convert_element_type3A_93, %dot_general3A_94 {dimension_numbers = #tpu.dot_dimension_numbers<[1], [1], [0], [0], [0, 0, 1, 0], [], []>, precision = #tpu.contract_precision<fp32>, transpose_lhs_hint = false} : vector<50x64xf32>, vector<768x64xf32>, vector<50x768xf32> -> vector<50x768xf32>
    %slice3A_96 = vector.extract_strided_slice %add3A_32 {offsets = [250, 320], sizes = [50, 64], strides = [1, 1]} : vector<600x768xf32> to vector<50x64xf32>
    %convert_element_type3A_97 = arith.truncf %slice3A_96 : vector<50x64xf32> to vector<50x64xbf16>
    %convert_element_type3A_98 = arith.extf %convert_element_type3A_97 : vector<50x64xbf16> to vector<50x64xf32>
    %slice3A_99 = vector.extract_strided_slice %convert_element_type3A_15 {offsets = [0, 320], sizes = [1, 64], strides = [1, 1]} : vector<1x768xf32> to vector<1x64xf32>
    %sub3A_100 = vector.broadcast %slice3A_99 : vector<1x64xf32> to vector<50x64xf32>
    %sub3A_101 = arith.subf %convert_element_type3A_98, %sub3A_100 : vector<50x64xf32>
    %get3A_102 = arith.constant 0 : index
    %get3A_103 = arith.constant 320 : index
    %get3A_104 = vector.load %arg5[%get3A_102, %get3A_103] : memref<768x768xf32, #tpu.memory_space<vmem>>, vector<768x64xf32>
    %convert_element_type3A_105 = arith.truncf %get3A_104 : vector<768x64xf32> to vector<768x64xbf16>
    %convert_element_type3A_106 = arith.extf %convert_element_type3A_105 : vector<768x64xbf16> to vector<768x64xf32>
    %dot_general3A_107 = arith.constant dense<0.000000e+00> : vector<50x768xf32>
    %dot_general3A_108 = tpu.matmul %sub3A_101, %convert_element_type3A_106, %dot_general3A_107 {dimension_numbers = #tpu.dot_dimension_numbers<[1], [1], [0], [0], [0, 0, 1, 0], [], []>, precision = #tpu.contract_precision<fp32>, transpose_lhs_hint = false} : vector<50x64xf32>, vector<768x64xf32>, vector<50x768xf32> -> vector<50x768xf32>
    %slice3A_109 = vector.extract_strided_slice %add3A_32 {offsets = [300, 384], sizes = [50, 64], strides = [1, 1]} : vector<600x768xf32> to vector<50x64xf32>
    %convert_element_type3A_110 = arith.truncf %slice3A_109 : vector<50x64xf32> to vector<50x64xbf16>
    %convert_element_type3A_111 = arith.extf %convert_element_type3A_110 : vector<50x64xbf16> to vector<50x64xf32>
    %slice3A_112 = vector.extract_strided_slice %convert_element_type3A_15 {offsets = [0, 384], sizes = [1, 64], strides = [1, 1]} : vector<1x768xf32> to vector<1x64xf32>
    %sub3A_113 = vector.broadcast %slice3A_112 : vector<1x64xf32> to vector<50x64xf32>
    %sub3A_114 = arith.subf %convert_element_type3A_111, %sub3A_113 : vector<50x64xf32>
    %get3A_115 = arith.constant 0 : index
    %get3A_116 = arith.constant 384 : index
    %get3A_117 = vector.load %arg5[%get3A_115, %get3A_116] : memref<768x768xf32, #tpu.memory_space<vmem>>, vector<768x64xf32>
    %convert_element_type3A_118 = arith.truncf %get3A_117 : vector<768x64xf32> to vector<768x64xbf16>
    %convert_element_type3A_119 = arith.extf %convert_element_type3A_118 : vector<768x64xbf16> to vector<768x64xf32>
    %dot_general3A_120 = arith.constant dense<0.000000e+00> : vector<50x768xf32>
    %dot_general3A_121 = tpu.matmul %sub3A_114, %convert_element_type3A_119, %dot_general3A_120 {dimension_numbers = #tpu.dot_dimension_numbers<[1], [1], [0], [0], [0, 0, 1, 0], [], []>, precision = #tpu.contract_precision<fp32>, transpose_lhs_hint = false} : vector<50x64xf32>, vector<768x64xf32>, vector<50x768xf32> -> vector<50x768xf32>
    %slice3A_122 = vector.extract_strided_slice %add3A_32 {offsets = [350, 448], sizes = [50, 64], strides = [1, 1]} : vector<600x768xf32> to vector<50x64xf32>
    %convert_element_type3A_123 = arith.truncf %slice3A_122 : vector<50x64xf32> to vector<50x64xbf16>
    %convert_element_type3A_124 = arith.extf %convert_element_type3A_123 : vector<50x64xbf16> to vector<50x64xf32>
    %slice3A_125 = vector.extract_strided_slice %convert_element_type3A_15 {offsets = [0, 448], sizes = [1, 64], strides = [1, 1]} : vector<1x768xf32> to vector<1x64xf32>
    %sub3A_126 = vector.broadcast %slice3A_125 : vector<1x64xf32> to vector<50x64xf32>
    %sub3A_127 = arith.subf %convert_element_type3A_124, %sub3A_126 : vector<50x64xf32>
    %get3A_128 = arith.constant 0 : index
    %get3A_129 = arith.constant 448 : index
    %get3A_130 = vector.load %arg5[%get3A_128, %get3A_129] : memref<768x768xf32, #tpu.memory_space<vmem>>, vector<768x64xf32>
    %convert_element_type3A_131 = arith.truncf %get3A_130 : vector<768x64xf32> to vector<768x64xbf16>
    %convert_element_type3A_132 = arith.extf %convert_element_type3A_131 : vector<768x64xbf16> to vector<768x64xf32>
    %dot_general3A_133 = arith.constant dense<0.000000e+00> : vector<50x768xf32>
    %dot_general3A_134 = tpu.matmul %sub3A_127, %convert_element_type3A_132, %dot_general3A_133 {dimension_numbers = #tpu.dot_dimension_numbers<[1], [1], [0], [0], [0, 0, 1, 0], [], []>, precision = #tpu.contract_precision<fp32>, transpose_lhs_hint = false} : vector<50x64xf32>, vector<768x64xf32>, vector<50x768xf32> -> vector<50x768xf32>
    %slice3A_135 = vector.extract_strided_slice %add3A_32 {offsets = [400, 512], sizes = [50, 64], strides = [1, 1]} : vector<600x768xf32> to vector<50x64xf32>
    %convert_element_type3A_136 = arith.truncf %slice3A_135 : vector<50x64xf32> to vector<50x64xbf16>
    %convert_element_type3A_137 = arith.extf %convert_element_type3A_136 : vector<50x64xbf16> to vector<50x64xf32>
    %slice3A_138 = vector.extract_strided_slice %convert_element_type3A_15 {offsets = [0, 512], sizes = [1, 64], strides = [1, 1]} : vector<1x768xf32> to vector<1x64xf32>
    %sub3A_139 = vector.broadcast %slice3A_138 : vector<1x64xf32> to vector<50x64xf32>
    %sub3A_140 = arith.subf %convert_element_type3A_137, %sub3A_139 : vector<50x64xf32>
    %get3A_141 = arith.constant 0 : index
    %get3A_142 = arith.constant 512 : index
    %get3A_143 = vector.load %arg5[%get3A_141, %get3A_142] : memref<768x768xf32, #tpu.memory_space<vmem>>, vector<768x64xf32>
    %convert_element_type3A_144 = arith.truncf %get3A_143 : vector<768x64xf32> to vector<768x64xbf16>
    %convert_element_type3A_145 = arith.extf %convert_element_type3A_144 : vector<768x64xbf16> to vector<768x64xf32>
    %dot_general3A_146 = arith.constant dense<0.000000e+00> : vector<50x768xf32>
    %dot_general3A_147 = tpu.matmul %sub3A_140, %convert_element_type3A_145, %dot_general3A_146 {dimension_numbers = #tpu.dot_dimension_numbers<[1], [1], [0], [0], [0, 0, 1, 0], [], []>, precision = #tpu.contract_precision<fp32>, transpose_lhs_hint = false} : vector<50x64xf32>, vector<768x64xf32>, vector<50x768xf32> -> vector<50x768xf32>
    %slice3A_148 = vector.extract_strided_slice %add3A_32 {offsets = [450, 576], sizes = [50, 64], strides = [1, 1]} : vector<600x768xf32> to vector<50x64xf32>
    %convert_element_type3A_149 = arith.truncf %slice3A_148 : vector<50x64xf32> to vector<50x64xbf16>
    %convert_element_type3A_150 = arith.extf %convert_element_type3A_149 : vector<50x64xbf16> to vector<50x64xf32>
    %slice3A_151 = vector.extract_strided_slice %convert_element_type3A_15 {offsets = [0, 576], sizes = [1, 64], strides = [1, 1]} : vector<1x768xf32> to vector<1x64xf32>
    %sub3A_152 = vector.broadcast %slice3A_151 : vector<1x64xf32> to vector<50x64xf32>
    %sub3A_153 = arith.subf %convert_element_type3A_150, %sub3A_152 : vector<50x64xf32>
    %get3A_154 = arith.constant 0 : index
    %get3A_155 = arith.constant 576 : index
    %get3A_156 = vector.load %arg5[%get3A_154, %get3A_155] : memref<768x768xf32, #tpu.memory_space<vmem>>, vector<768x64xf32>
    %convert_element_type3A_157 = arith.truncf %get3A_156 : vector<768x64xf32> to vector<768x64xbf16>
    %convert_element_type3A_158 = arith.extf %convert_element_type3A_157 : vector<768x64xbf16> to vector<768x64xf32>
    %dot_general3A_159 = arith.constant dense<0.000000e+00> : vector<50x768xf32>
    %dot_general3A_160 = tpu.matmul %sub3A_153, %convert_element_type3A_158, %dot_general3A_159 {dimension_numbers = #tpu.dot_dimension_numbers<[1], [1], [0], [0], [0, 0, 1, 0], [], []>, precision = #tpu.contract_precision<fp32>, transpose_lhs_hint = false} : vector<50x64xf32>, vector<768x64xf32>, vector<50x768xf32> -> vector<50x768xf32>
    %slice3A_161 = vector.extract_strided_slice %add3A_32 {offsets = [500, 640], sizes = [50, 64], strides = [1, 1]} : vector<600x768xf32> to vector<50x64xf32>
    %convert_element_type3A_162 = arith.truncf %slice3A_161 : vector<50x64xf32> to vector<50x64xbf16>
    %convert_element_type3A_163 = arith.extf %convert_element_type3A_162 : vector<50x64xbf16> to vector<50x64xf32>
    %slice3A_164 = vector.extract_strided_slice %convert_element_type3A_15 {offsets = [0, 640], sizes = [1, 64], strides = [1, 1]} : vector<1x768xf32> to vector<1x64xf32>
    %sub3A_165 = vector.broadcast %slice3A_164 : vector<1x64xf32> to vector<50x64xf32>
    %sub3A_166 = arith.subf %convert_element_type3A_163, %sub3A_165 : vector<50x64xf32>
    %get3A_167 = arith.constant 0 : index
    %get3A_168 = arith.constant 640 : index
    %get3A_169 = vector.load %arg5[%get3A_167, %get3A_168] : memref<768x768xf32, #tpu.memory_space<vmem>>, vector<768x64xf32>
    %convert_element_type3A_170 = arith.truncf %get3A_169 : vector<768x64xf32> to vector<768x64xbf16>
    %convert_element_type3A_171 = arith.extf %convert_element_type3A_170 : vector<768x64xbf16> to vector<768x64xf32>
    %dot_general3A_172 = arith.constant dense<0.000000e+00> : vector<50x768xf32>
    %dot_general3A_173 = tpu.matmul %sub3A_166, %convert_element_type3A_171, %dot_general3A_172 {dimension_numbers = #tpu.dot_dimension_numbers<[1], [1], [0], [0], [0, 0, 1, 0], [], []>, precision = #tpu.contract_precision<fp32>, transpose_lhs_hint = false} : vector<50x64xf32>, vector<768x64xf32>, vector<50x768xf32> -> vector<50x768xf32>
    %slice3A_174 = vector.extract_strided_slice %add3A_32 {offsets = [550, 704], sizes = [50, 64], strides = [1, 1]} : vector<600x768xf32> to vector<50x64xf32>
    %convert_element_type3A_175 = arith.truncf %slice3A_174 : vector<50x64xf32> to vector<50x64xbf16>
    %convert_element_type3A_176 = arith.extf %convert_element_type3A_175 : vector<50x64xbf16> to vector<50x64xf32>
    %slice3A_177 = vector.extract_strided_slice %convert_element_type3A_15 {offsets = [0, 704], sizes = [1, 64], strides = [1, 1]} : vector<1x768xf32> to vector<1x64xf32>
    %sub3A_178 = vector.broadcast %slice3A_177 : vector<1x64xf32> to vector<50x64xf32>
    %sub3A_179 = arith.subf %convert_element_type3A_176, %sub3A_178 : vector<50x64xf32>
    %get3A_180 = arith.constant 0 : index
    %get3A_181 = arith.constant 704 : index
    %get3A_182 = vector.load %arg5[%get3A_180, %get3A_181] : memref<768x768xf32, #tpu.memory_space<vmem>>, vector<768x64xf32>
    %convert_element_type3A_183 = arith.truncf %get3A_182 : vector<768x64xf32> to vector<768x64xbf16>
    %convert_element_type3A_184 = arith.extf %convert_element_type3A_183 : vector<768x64xbf16> to vector<768x64xf32>
    %dot_general3A_185 = arith.constant dense<0.000000e+00> : vector<50x768xf32>
    %dot_general3A_186 = tpu.matmul %sub3A_179, %convert_element_type3A_184, %dot_general3A_185 {dimension_numbers = #tpu.dot_dimension_numbers<[1], [1], [0], [0], [0, 0, 1, 0], [], []>, precision = #tpu.contract_precision<fp32>, transpose_lhs_hint = false} : vector<50x64xf32>, vector<768x64xf32>, vector<50x768xf32> -> vector<50x768xf32>
    %concatenate3A = tpu.concatenate %dot_general3A_43, %dot_general3A_56, %dot_general3A_69, %dot_general3A_82, %dot_general3A_95, %dot_general3A_108, %dot_general3A_121, %dot_general3A_134, %dot_general3A_147, %dot_general3A_160, %dot_general3A_173, %dot_general3A_186 in 0 : vector<50x768xf32>, vector<50x768xf32>, vector<50x768xf32>, vector<50x768xf32>, vector<50x768xf32>, vector<50x768xf32>, vector<50x768xf32>, vector<50x768xf32>, vector<50x768xf32>, vector<50x768xf32>, vector<50x768xf32>, vector<50x768xf32> -> vector<600x768xf32>
    %swap3A = arith.constant 0 : index
    %swap3A_187 = arith.constant 0 : index
    %swap3A_188 = arith.constant 0 : index
    %swap3A_189 = vector.load %arg7[%swap3A, %swap3A_187, %swap3A_188] : memref<1x600x768xf32, #tpu.memory_space<vmem>>, vector<1x600x768xf32>
    %swap3A_190 = vector.shape_cast %swap3A_189 : vector<1x600x768xf32> to vector<600x768xf32>
    %swap3A_191 = vector.shape_cast %concatenate3A : vector<600x768xf32> to vector<1x600x768xf32>
    tpu.vector_store %arg7[%swap3A, %swap3A_187, %swap3A_188], %swap3A_191 {strides = array<i32>} : memref<1x600x768xf32, #tpu.memory_space<vmem>>, vector<1x600x768xf32>,
    %get3A_192 = arith.constant 0 : index
    %get3A_193 = arith.constant 0 : index
    %get3A_194 = vector.load %arg5[%get3A_192, %get3A_193] : memref<768x768xf32, #tpu.memory_space<vmem>>, vector<768x768xf32>
    %convert_element_type3A_195 = arith.truncf %add3A : vector<1x768xf32> to vector<1x768xbf16>
    %convert_element_type3A_196 = arith.truncf %get3A_194 : vector<768x768xf32> to vector<768x768xbf16>
    %dot_general3A_197 = arith.constant dense<0.000000e+00> : vector<1x768xf32>
    %dot_general3A_198 = tpu.matmul %convert_element_type3A_195, %convert_element_type3A_196, %dot_general3A_197 {dimension_numbers = #tpu.dot_dimension_numbers<[1], [1], [0], [0], [0, 0, 1, 0], [], []>, transpose_lhs_hint = false} : vector<1x768xbf16>, vector<768x768xbf16>, vector<1x768xf32> -> vector<1x768xf32>
    %get3A_199 = arith.constant 0 : index
    %get3A_200 = arith.constant 0 : index
    %get3A_201 = vector.load %arg6[%get3A_199, %get3A_200] : memref<1x768xf32, #tpu.memory_space<vmem>>, vector<1x768xf32>
    %add3A_202 = arith.addf %dot_general3A_198, %get3A_201 : vector<1x768xf32>
    %swap3A_203 = arith.constant 0 : index
    %swap3A_204 = arith.constant 0 : index
    %swap3A_205 = arith.constant 0 : index
    %swap3A_206 = vector.load %arg8[%swap3A_203, %swap3A_204, %swap3A_205] : memref<1x1x768xf32, #tpu.memory_space<vmem>>, vector<1x1x768xf32>
    %swap3A_207 = vector.shape_cast %swap3A_206 : vector<1x1x768xf32> to vector<1x768xf32>
    %swap3A_208 = vector.shape_cast %add3A_202 : vector<1x768xf32> to vector<1x1x768xf32>
    tpu.vector_store %arg8[%swap3A_203, %swap3A_204, %swap3A_205], %swap3A_208 {strides = array<i32>} : memref<1x1x768xf32, #tpu.memory_space<vmem>>, vector<1x1x768xf32>,
    return
  }
  func.func @transform_0(%arg0: i32) -> (i32, i32, i32) {
    %c0_i32 = arith.constant 0 : i32
    %c0_i32_0 = arith.constant 0 : i32
    %c0_i32_1 = arith.constant 0 : i32
    return %arg0, %c0_i32, %c0_i32_0 : i32, i32, i32
  }
  func.func @transform_1(%arg0: i32) -> (i32, i32, i32) {
    %c0_i32 = arith.constant 0 : i32
    %c0_i32_0 = arith.constant 0 : i32
    %c0_i32_1 = arith.constant 0 : i32
    return %arg0, %c0_i32, %c0_i32_0 : i32, i32, i32
  }
  func.func @transform_2(%arg0: i32) -> (i32, i32) {
    %c0_i32 = arith.constant 0 : i32
    %c0_i32_0 = arith.constant 0 : i32
    %c0_i32_1 = arith.constant 0 : i32
    return %c0_i32, %c0_i32_0 : i32, i32
  }
  func.func @transform_3(%arg0: i32) -> (i32, i32) {
    %c0_i32 = arith.constant 0 : i32
    %c0_i32_0 = arith.constant 0 : i32
    %c0_i32_1 = arith.constant 0 : i32
    return %c0_i32, %c0_i32_0 : i32, i32
  }
  func.func @transform_4(%arg0: i32) -> (i32, i32) {
    %c0_i32 = arith.constant 0 : i32
    %c0_i32_0 = arith.constant 0 : i32
    %c0_i32_1 = arith.constant 0 : i32
    return %c0_i32, %c0_i32_0 : i32, i32
  }
  func.func @transform_5(%arg0: i32) -> (i32, i32) {
    %c0_i32 = arith.constant 0 : i32
    %c0_i32_0 = arith.constant 0 : i32
    %c0_i32_1 = arith.constant 0 : i32
    return %c0_i32, %c0_i32_0 : i32, i32
  }
  func.func @transform_6(%arg0: i32) -> (i32, i32, i32) {
    %c0_i32 = arith.constant 0 : i32
    %c0_i32_0 = arith.constant 0 : i32
    %c0_i32_1 = arith.constant 0 : i32
    return %arg0, %c0_i32, %c0_i32_0 : i32, i32, i32
  }
  func.func @transform_7(%arg0: i32) -> (i32, i32, i32) {
    %c0_i32 = arith.constant 0 : i32
    %c0_i32_0 = arith.constant 0 : i32
    %c0_i32_1 = arith.constant 0 : i32
    return %arg0, %c0_i32, %c0_i32_0 : i32, i32, i32
  }
}

module attributes {stable_mosaic.version = 14 : i64} {
  func.func @_p7_body(%arg0: i32, %arg1: i32, %arg2: memref<4x600xi32, #tpu.memory_space<smem>>, %arg3: memref<4x600xi32, #tpu.memory_space<smem>>, %arg4: memref<4x9xi32, #tpu.memory_space<smem>>, %arg5: memref<1x1x768xf32, #tpu.memory_space<vmem>>, %arg6: memref<1x600x768xf32, #tpu.memory_space<vmem>>, %arg7: memref<1x1024x768xf32, #tpu.memory_space<vmem>>) attributes {dimension_semantics = [#tpu.dimension_semantics<arbitrary>, #tpu.dimension_semantics<arbitrary>], iteration_bounds = array<i64: 4, 8>, scalar_prefetch = 3 : i64, scratch_operands = 0 : i64, tpu.core_type = #tpu.core_type<tc>, window_params = [{transform_indices = @transform_0, window_bounds = array<i64: 1, 1, 768>}, {transform_indices = @transform_1, window_bounds = array<i64: 1, 600, 768>}, {transform_indices = @transform_2, window_bounds = array<i64: 1, 1024, 768>}]} {
    %get3A = arith.constant 0 : index
    %get3A_0 = arith.constant 0 : index
    %get3A_1 = arith.constant 0 : index
    %get3A_2 = vector.load %arg5[%get3A, %get3A_0, %get3A_1] : memref<1x1x768xf32, #tpu.memory_space<vmem>>, vector<1x1x768xf32>
    %get3A_3 = vector.shape_cast %get3A_2 : vector<1x1x768xf32> to vector<1x768xf32>
    %broadcast_in_dim3A = vector.shape_cast %get3A_3 : vector<1x768xf32> to vector<1x768xf32>
    %broadcast_in_dim3A_4 = vector.broadcast %broadcast_in_dim3A : vector<1x768xf32> to vector<1024x768xf32>
    %swap3A = arith.constant 0 : index
    %swap3A_5 = arith.constant 0 : index
    %swap3A_6 = arith.constant 0 : index
    %swap3A_7 = vector.load %arg7[%swap3A, %swap3A_5, %swap3A_6] : memref<1x1024x768xf32, #tpu.memory_space<vmem>>, vector<1x1024x768xf32>
    %swap3A_8 = vector.shape_cast %swap3A_7 : vector<1x1024x768xf32> to vector<1024x768xf32>
    %swap3A_9 = vector.shape_cast %broadcast_in_dim3A_4 : vector<1024x768xf32> to vector<1x1024x768xf32>
    tpu.vector_store %arg7[%swap3A, %swap3A_5, %swap3A_6], %swap3A_9 {strides = array<i32>} : memref<1x1024x768xf32, #tpu.memory_space<vmem>>, vector<1x1024x768xf32>,
    %get3A_10 = arith.index_cast %arg0 : i32 to index
    %get3A_11 = arith.index_cast %arg1 : i32 to index
    %get3A_12 = memref.load %arg4[%get3A_10, %get3A_11] : memref<4x9xi32, #tpu.memory_space<smem>>
    %add3A = arith.constant 1 : i32
    %add3A_13 = arith.addi %arg1, %add3A : i32
    %get3A_14 = arith.index_cast %arg0 : i32 to index
    %get3A_15 = arith.index_cast %add3A_13 : i32 to index
    %get3A_16 = memref.load %arg4[%get3A_14, %get3A_15] : memref<4x9xi32, #tpu.memory_space<smem>>
    %while3A = arith.constant 0 : i32
    %while3A_17 = arith.subi %get3A_16, %get3A_12 : i32
    %while3A_18 = arith.addi %get3A_12, %while3A_17 : i32
    %while3A_19 = arith.constant 1 : i32
    %while3A_20 = arith.divsi %while3A_17, %while3A_19 : i32
    %while3A_21 = arith.muli %while3A_20, %while3A_19 : i32
    %while3A_22 = arith.addi %get3A_12, %while3A_21 : i32
    %while3A_23 = arith.constant 1 : i32
    scf.for %while3A_25 = %get3A_12 to %while3A_22 step %while3A_23  : i32 {
      %get3A_26 = arith.index_cast %arg0 : i32 to index
      %get3A_27 = arith.index_cast %while3A_25 : i32 to index
      %get3A_28 = memref.load %arg2[%get3A_26, %get3A_27] : memref<4x600xi32, #tpu.memory_space<smem>>
      %mul3A = arith.constant 1024 : i32
      %mul3A_29 = arith.muli %arg1, %mul3A : i32
      %sub3A = arith.subi %get3A_28, %mul3A_29 : i32
      %get3A_30 = arith.index_cast %arg0 : i32 to index
      %get3A_31 = arith.index_cast %while3A_25 : i32 to index
      %get3A_32 = memref.load %arg3[%get3A_30, %get3A_31] : memref<4x600xi32, #tpu.memory_space<smem>>
      %get3A_33 = arith.constant 0 : index
      %get3A_34 = arith.index_cast %sub3A : i32 to index
      %get3A_35 = arith.constant 0 : index
      %get3A_36 = vector.load %arg7[%get3A_33, %get3A_34, %get3A_35] : memref<1x1024x768xf32, #tpu.memory_space<vmem>>, vector<1x1x768xf32>
      %get3A_37 = vector.shape_cast %get3A_36 : vector<1x1x768xf32> to vector<1x768xf32>
      %get3A_38 = arith.constant 0 : index
      %get3A_39 = arith.index_cast %get3A_32 : i32 to index
      %get3A_40 = arith.constant 0 : index
      %get3A_41 = vector.load %arg6[%get3A_38, %get3A_39, %get3A_40] : memref<1x600x768xf32, #tpu.memory_space<vmem>>, vector<1x1x768xf32>
      %get3A_42 = vector.shape_cast %get3A_41 : vector<1x1x768xf32> to vector<1x768xf32>
      %add3A_43 = arith.addf %get3A_37, %get3A_42 : vector<1x768xf32>
      %swap3A_44 = arith.constant 0 : index
      %swap3A_45 = arith.index_cast %sub3A : i32 to index
      %swap3A_46 = arith.constant 0 : index
      %swap3A_47 = vector.load %arg7[%swap3A_44, %swap3A_45, %swap3A_46] : memref<1x1024x768xf32, #tpu.memory_space<vmem>>, vector<1x1x768xf32>
      %swap3A_48 = vector.shape_cast %swap3A_47 : vector<1x1x768xf32> to vector<1x768xf32>
      %swap3A_49 = vector.shape_cast %add3A_43 : vector<1x768xf32> to vector<1x1x768xf32>
      tpu.vector_store %arg7[%swap3A_44, %swap3A_45, %swap3A_46], %swap3A_49 {strides = array<i32>} : memref<1x1024x768xf32, #tpu.memory_space<vmem>>, vector<1x1x768xf32>,
    }
    %while3A_24 = arith.constant 1 : i32
    scf.for %while3A_25 = %while3A_22 to %while3A_18 step %while3A_24  : i32 {
      %get3A_26 = arith.index_cast %arg0 : i32 to index
      %get3A_27 = arith.index_cast %while3A_25 : i32 to index
      %get3A_28 = memref.load %arg2[%get3A_26, %get3A_27] : memref<4x600xi32, #tpu.memory_space<smem>>
      %mul3A = arith.constant 1024 : i32
      %mul3A_29 = arith.muli %arg1, %mul3A : i32
      %sub3A = arith.subi %get3A_28, %mul3A_29 : i32
      %get3A_30 = arith.index_cast %arg0 : i32 to index
      %get3A_31 = arith.index_cast %while3A_25 : i32 to index
      %get3A_32 = memref.load %arg3[%get3A_30, %get3A_31] : memref<4x600xi32, #tpu.memory_space<smem>>
      %get3A_33 = arith.constant 0 : index
      %get3A_34 = arith.index_cast %sub3A : i32 to index
      %get3A_35 = arith.constant 0 : index
      %get3A_36 = vector.load %arg7[%get3A_33, %get3A_34, %get3A_35] : memref<1x1024x768xf32, #tpu.memory_space<vmem>>, vector<1x1x768xf32>
      %get3A_37 = vector.shape_cast %get3A_36 : vector<1x1x768xf32> to vector<1x768xf32>
      %get3A_38 = arith.constant 0 : index
      %get3A_39 = arith.index_cast %get3A_32 : i32 to index
      %get3A_40 = arith.constant 0 : index
      %get3A_41 = vector.load %arg6[%get3A_38, %get3A_39, %get3A_40] : memref<1x600x768xf32, #tpu.memory_space<vmem>>, vector<1x1x768xf32>
      %get3A_42 = vector.shape_cast %get3A_41 : vector<1x1x768xf32> to vector<1x768xf32>
      %add3A_43 = arith.addf %get3A_37, %get3A_42 : vector<1x768xf32>
      %swap3A_44 = arith.constant 0 : index
      %swap3A_45 = arith.index_cast %sub3A : i32 to index
      %swap3A_46 = arith.constant 0 : index
      %swap3A_47 = vector.load %arg7[%swap3A_44, %swap3A_45, %swap3A_46] : memref<1x1024x768xf32, #tpu.memory_space<vmem>>, vector<1x1x768xf32>
      %swap3A_48 = vector.shape_cast %swap3A_47 : vector<1x1x768xf32> to vector<1x768xf32>
      %swap3A_49 = vector.shape_cast %add3A_43 : vector<1x768xf32> to vector<1x1x768xf32>
      tpu.vector_store %arg7[%swap3A_44, %swap3A_45, %swap3A_46], %swap3A_49 {strides = array<i32>} : memref<1x1024x768xf32, #tpu.memory_space<vmem>>, vector<1x1x768xf32>,
    }
    return
  }
  func.func @transform_0(%arg0: i32, %arg1: i32, %arg2: memref<4x600xi32, #tpu.memory_space<smem>>, %arg3: memref<4x600xi32, #tpu.memory_space<smem>>, %arg4: memref<4x9xi32, #tpu.memory_space<smem>>) -> (i32, i32, i32) {
    %c0_i32 = arith.constant 0 : i32
    %c0_i32_0 = arith.constant 0 : i32
    %c0_i32_1 = arith.constant 0 : i32
    return %arg0, %c0_i32, %c0_i32_0 : i32, i32, i32
  }
  func.func @transform_1(%arg0: i32, %arg1: i32, %arg2: memref<4x600xi32, #tpu.memory_space<smem>>, %arg3: memref<4x600xi32, #tpu.memory_space<smem>>, %arg4: memref<4x9xi32, #tpu.memory_space<smem>>) -> (i32, i32, i32) {
    %c0_i32 = arith.constant 0 : i32
    %c0_i32_0 = arith.constant 0 : i32
    %c0_i32_1 = arith.constant 0 : i32
    return %arg0, %c0_i32, %c0_i32_0 : i32, i32, i32
  }
  func.func @transform_2(%arg0: i32, %arg1: i32, %arg2: memref<4x600xi32, #tpu.memory_space<smem>>, %arg3: memref<4x600xi32, #tpu.memory_space<smem>>, %arg4: memref<4x9xi32, #tpu.memory_space<smem>>) -> (i32, i32, i32) {
    %c0_i32 = arith.constant 0 : i32
    %c0_i32_0 = arith.constant 0 : i32
    return %arg0, %arg1, %c0_i32 : i32, i32, i32
  }
}

</mosaic_0001>

<sc_bundles>
// kernel: gather_offload_async_start.1
scs
__scs_entry_jumppad:
0x0: {  	(pc) =	sbr.rel $0x88, $3  }
0x1: {  	(tag) =	ssettag $0x0;
	lr =	simm.s32 $0x1  }
0x2: {  	[smem:$0x3F96] =	sst lr;
	_ =	strace $0xD0000000  }
0x3: {  	_ = 	snop  }
0x4: {  	_ = 	snop  }
0x5: {  	_ = 	snop  }
0x6: {  	_ = 	snop  }
0x7: {  	_ = 	snop  }
__scs_overlays_trampoline_lowered:
0x8: {  	[smem:$0x3FA5] =	sst s0  }
0x9: {  	[smem:$0x3FA6] =	sst s1  }
0xa: {  	[smem:$0x3FA7] =	sst s2  }
0xb: {  	[smem:$0x3FA8] =	sst s3  }
0xc: {  	[smem:$0x3FA9] =	sst s4  }
0xd: {  	[smem:$0x3FAA] =	sst s5  }
0xe: {  	[smem:$0x3FAB] =	sst s6  }
0xf: {  	[smem:$0x3FAC] =	sst s7  }
0x10: {  	[smem:$0x3FAD] =	sst s8  }
0x11: {  	[smem:$0x3FAE] =	sst s9;
	s0 =	simm.s32 @!p0 $0x0  }
0x12: {  	s1 =	sld [smem:$0x3F94];
	s0 =	simm.s32 @p0 $0x1  }
0x13: {  	[smem:$0x3FAF] =	sst s0;
	s0 =	simm.s32 @!p1 $0x0  }
0x14: {  	s2 =	sld [smem:$0x3F93];
	s0 =	simm.s32 @p1 $0x1  }
0x15: {  	[smem:$0x3FB0] =	sst s0;
	s0 =	simm.s32 @!p2 $0x0  }
0x16: {  	s3 =	sld [smem:$0x3FDB];
	s0 =	simm.s32 @p2 $0x1  }
0x17: {  	s4 =	simm.s32 $0x1BF5;
	[smem:$0x3FB2] =	sst s0  }
0x18: {  	s0 =	sld [smem:$0x3F95];
	_ =	swait.ge [sflag:s4], $0x0  }
0x19: {  	s7 =	sld [smem:$0x3F96]  }
0x1a: {  	s8 =	sadd.s32 $0xFFFFE003, lr  }
0x1b: {  	s9 =	sadd.s32 $0xFFFFFEF7, lr;
	s5 =	simm.s32 $0xFFFFFFFF;
	p2 =	slt.u32 s8, $0xFFFFF086  }
0x1c: {  	p1 =	slt.u32 s9, $0xF7A;
	s5 =	simm.s32 @!p2 $0x0  }
0x1d: {  	s5 =	simm.s32 @p1 $0x1;
	p0 =	seq.s32 s7, s2  }
0x1e: {  	s7 =	smul.u32 @!p0 $0xF7A, s2;
	p2 =	seq.s32 @!p0 s5, $0x0  }
0x1f: {  	s9 =	smul.u32 $0xF7A, s1;
	s8 =	simm.s32 @!p0 $0x1BF5;
	p2 =	por !p2, p0  }
0x20: {  	[sflag:s8] =	ssyncset.s32 @!p0 $0xFFFFF086;
	s6 =	sadd.s32 @!p0 s3, s7;
	s7 =	simm.s32 @!p0 $0x108  }
0x21: {  	s3 =	sadd.s32 s3, s9;
	s6 =	sadd.s32 @!p0 $0x88, s6;
	s7 =	simm.s32 @p2 $0x1082  }
0x22: {  	[simem:s7], [sflag:s8] =	dma.local @!p0 [hbm:s6], $0xF7A  }
0x23: {  	s9 =	sor.u32 $0xD0000000, s2;
	s6 =	simm.s32 $0x108;
	_ =	swait.ge @!p0 [sflag:s8], $0x0  }
0x24: {  	s3 =	sadd.s32 $0x88, s3;
	s6 =	simm.s32 @!p1 $0x1082;
	[sflag:s4] =	ssyncset.s32 $0xFFFFF086  }
0x25: {  	[simem:s6], [sflag:s4] =	dma.local [hbm:s3], $0xF7A  }
0x26: {  	[smem:$0x3F96] =	sst s1;
	(tag) =	ssettag s2;
	_ =	strace s9  }
0x27: {  	s1 =	sld [smem:$0x3FA6]  }
0x28: {  	s2 =	sld [smem:$0x3FA7]  }
0x29: {  	s4 =	sld [smem:$0x3FA9]  }
0x2a: {  	p0 =	seq.s32 s5, $0x0;
	s5 =	sld [smem:$0x3FAA]  }
0x2b: {  	s6 =	sld [smem:$0x3FAB]  }
0x2c: {  	s7 =	sld [smem:$0x3FAC]  }
0x2d: {  	s3 =	simm.s32 $0x108;
	s8 =	sld [smem:$0x3FAD]  }
0x2e: {  	s3 =	simm.s32 @!p0 $0x1082;
	s9 =	sld [smem:$0x3FAE]  }
0x2f: {  	lr =	sadd.s32 s0, s3;
	s0 =	sld [smem:$0x3FA5]  }
0x30: {  	s3 =	sld [smem:$0x3FA8]  }
0x31: {  	[smem:$0x3FB1] =	sst s10  }
0x32: {  	s10 =	sld [smem:$0x3FAF];
	_ =	sdelay $0x3  }
0x33: {  	p0 =	seq.s32 s10, $0x1;
	s10 =	sld [smem:$0x3FB1];
	_ =	sdelay $0x3  }
0x34: {  	[smem:$0x3FB1] =	sst s10  }
0x35: {  	s10 =	sld [smem:$0x3FB0];
	_ =	sdelay $0x3  }
0x36: {  	p1 =	seq.s32 s10, $0x1;
	s10 =	sld [smem:$0x3FB1];
	_ =	sdelay $0x3  }
0x37: {  	[smem:$0x3FB1] =	sst s10  }
0x38: {  	s10 =	sld [smem:$0x3FB2]  }
0x39: {  	_ = 	snop;
	(pc) =	sbr.ind lr, $3  }
0x3a: {  	_ = 	snop  }
0x3b: {  	_ = 	snop  }
0x3c: {  	p2 =	seq.s32 s10, $0x1;
	s10 =	sld [smem:$0x3FB1]  }
0x3d: {  	_ =	shalt  }
0x3e: {  	_ =	shalt  }
0x3f: {  	_ =	shalt  }
0x40: {  	_ =	shalt  }
0x41: {  	_ =	shalt  }
0x42: {  	_ =	shalt  }
0x43: {  	_ =	shalt  }
0x44: {  	_ =	shalt  }
0x45: {  	_ =	shalt  }
0x46: {  	_ =	shalt  }
0x47: {  	_ =	shalt  }
0x48: {  	_ =	shalt  }
0x49: {  	_ =	shalt  }
0x4a: {  	_ =	shalt  }
0x4b: {  	_ =	shalt  }
0x4c: {  	_ =	shalt  }
0x4d: {  	_ =	shalt  }
0x4e: {  	_ =	shalt  }
0x4f: {  	_ =	shalt  }
0x50: {  	_ =	shalt  }
0x51: {  	_ =	shalt  }
0x52: {  	_ =	shalt  }
0x53: {  	_ =	shalt  }
0x54: {  	_ =	shalt  }
0x55: {  	_ =	shalt  }
0x56: {  	_ =	shalt  }
0x57: {  	_ =	shalt  }
0x58: {  	_ =	shalt  }
0x59: {  	_ =	shalt  }
0x5a: {  	_ =	shalt  }
0x5b: {  	_ =	shalt  }
0x5c: {  	_ =	shalt  }
0x5d: {  	_ =	shalt  }
0x5e: {  	_ =	shalt  }
0x5f: {  	_ =	shalt  }
0x60: {  	_ =	shalt  }
0x61: {  	_ =	shalt  }
0x62: {  	_ =	shalt  }
0x63: {  	_ =	shalt  }
0x64: {  	_ =	shalt  }
0x65: {  	_ =	shalt  }
0x66: {  	_ =	shalt  }
0x67: {  	_ =	shalt  }
0x68: {  	_ =	shalt  }
0x69: {  	_ =	shalt  }
0x6a: {  	_ =	shalt  }
0x6b: {  	_ =	shalt  }
0x6c: {  	_ =	shalt  }
0x6d: {  	_ =	shalt  }
0x6e: {  	_ =	shalt  }
0x6f: {  	_ =	shalt  }
0x70: {  	_ =	shalt  }
0x71: {  	_ =	shalt  }
0x72: {  	_ =	shalt  }
0x73: {  	_ =	shalt  }
0x74: {  	_ =	shalt  }
0x75: {  	_ =	shalt  }
0x76: {  	_ =	shalt  }
0x77: {  	_ =	shalt  }
0x78: {  	_ =	shalt  }
0x79: {  	_ =	shalt  }
0x7a: {  	_ =	shalt  }
0x7b: {  	_ =	shalt  }
0x7c: {  	_ =	shalt  }
0x7d: {  	_ =	shalt  }
0x7e: {  	_ =	shalt  }
0x7f: {  	_ =	shalt  }
0x80: {  	_ =	shalt  }
0x81: {  	_ =	shalt  }
0x82: {  	_ =	shalt  }
0x83: {  	_ =	shalt  }
0x84: {  	_ =	shalt  }
0x85: {  	_ =	shalt  }
0x86: {  	_ =	shalt  }
0x87: {  	_ =	shalt  }
.Lfunc_end0:
.L_simem_size_0:
called_computation.1_lowered:
.L_overlay_start_0:
0x88: {  	s2 =	sld [smem:$0x3FD9]  }
0x89: {  	s3 =	sld [smem:$0x3FFE];
	_ =	sdelay $0x1  }
0x8a: {  	s1 =	srdreg.scid  }
0x8b: {  	s0 =	sand.u32 $0x1, s1  }
0x8c: {  	s17 =	sshll.u32 s0, $0xA;
	s2 =	sadd.s32 s3, s2  }
0x8d: {  	s2 =	sadd.s32 s2, s17  }
0x8e: {  	[smem:$0x3FBD] =	sst s2  }
0x8f: {  	_ = 	snop  }
0x90: {  	s2 =	sld [smem:$0x3FC9]  }
0x91: {  	s18 =	sld [smem:$0x3FD0];
	(tm) =	ssettm $0x1  }
0x92: {  	s4 =	sld [smem:$0x3FFB];
	_ =	sdelay $0x3  }
0x93: {  	_ =	strace s4  }
0x94: {  	s4 =	sld [smem:$0x3FFC];
	_ =	sdelay $0x3  }
0x95: {  	_ =	strace s4  }
0x96: {  	s4 =	sld [smem:$0x3FFD];
	_ =	sdelay $0x3  }
0x97: {  	_ =	strace s4  }
0x98: {  	_ =	strace $0x8FFFFFFF  }
0x99: {  	s19 =	sld [smem:$0x3FDB];
	_ =	sdelay $0x1  }
0x9a: {  	s5 =	simm.s32 $_scs_section_size  }
0x9b: {  	s6 =	simm.s32 $_size__tile_overlayer_lowered;
	s7 =	simm.s32 $_tile_overlayer_lowered  }
0x9c: {  	s22 =	simm.s32 $0x1BFF;
	s21 =	sshll.u32 s7, $0x1;
	s4 =	sadd.s32 s5, s19  }
0x9d: {  	s8 =	simm.s32 $0x0;
	s20 =	sshll.u32 s6, $0x1;
	s6 =	sadd.s32 s21, s4  }
0x9e: {  	[timem:s8], [sflag:s22] =	dma.local [hbm:s6], s20  }
0x9f: {  	_ =	swait.ge [sflag:s22], s20  }
0xa0: {  	s5 =	ssub.s32 $0x0, s20;
	[sflag:s22] =	ssyncset.done $0x0  }
0xa1: {  	[sflag:s22] =	ssyncadd.s32 s5;
	_ =	sdelay $0x1  }
0xa2: {  	s23 =	simm.s32 $0x1B8B  }
0xa3: {  	_ =	swait.ge [sflag:s23], $0x1  }
0xa4: {  	[sflag:s23] =	ssyncset.done $0x0  }
0xa5: {  	s25 =	simm.s32 $0x1B8E;
	s24 =	sld [smem:$0x3FFE];
	[sflag:s23] =	ssyncadd.s32 $0xFFFFFFFF  }
0xa6: {  	s26 =	simm.s32 $execute0_lowered;
	[smem:$0x3FD2] =	sst s25  }
0xa7: {  	s6 =	sshll.u32 s26, $0x1;
	_ =	strace $0x80000049;
	[dreg:$0x1] =	wrdreg $0xFFFFFFFF  }
0xa8: {  	s28 =	simm.s32 $_size_execute0_lowered;
	s4 =	sadd.s32 s4, s6;
	[dreg:$0x0] =	wrdreg $0x0  }
0xa9: {  	s6 =	sshll.u32 s28, $0x1;
	[dreg:$0x2] =	wrdreg s4  }
0xaa: {  	[dreg:$0x3] =	wrdreg s6  }
0xab: {  	[dreg:$0x4] =	wrdreg $0xC0  }
0xac: {  	_ =	task [dreg:s8], $0x5FFFF  }
0xad: {  	[dreg:$0x1] =	wrdreg $0xFFFFFFFF  }
0xae: {  	[dreg:$0x0] =	wrdreg $0x60  }
0xaf: {  	[dreg:$0x2] =	wrdreg s2  }
0xb0: {  	[dreg:$0x3] =	wrdreg s24  }
0xb1: {  	[dreg:$0x4] =	wrdreg s18  }
0xb2: {  	[dreg:$0x5] =	wrdreg $0x9  }
0xb3: {  	_ =	task.clear_ibuf [dreg:s8], $0x6FFFF;
	_ =	strace $0x90000049  }
0xb4: {  	s29 =	simm.s32 $0x9;
	_ =	strace $0x8000004B  }
0xb5: {  	_ =	swait.ge [sflag:s29], $0x1  }
0xb6: {  	[sflag:s29] =	ssyncadd.s32 $0xFFFFFFFF  }
0xb7: {  	_ =	strace $0x9000004B  }
0xb8: {  	_ =	sfence  }
0xb9: {  	s30 =	sld [smem:$0x0];
	_ =	sdelay $0x2  }
0xba: {  	s31 =	sshll.u32 s1, $0xD;
	s1 =	sshrl.u32 s1, $0x2  }
0xbb: {  	s3 =	sand.u32 $0x4000, s31;
	s1 =	sadd.s32 s1, s30  }
0xbc: {  	s0 =	sor.u32 s3, s0;
	s1 =	sshll.u32 s1, $0x11  }
0xbd: {  	s0 =	sor.u32 s1, s0  }
0xbe: {  	s0 =	sadd.s32 $0x8F2B, s0  }
0xbf: {  	[sflag:s0] =	ssyncadd.remote.s32 $0x1  }
0xc0: {  	_ =	sfence.sel $0xFFFF  }
0xc1: {  	[dreg:$0x0] =	wrdreg $0xFFFFFFFF;
	(pc) =	sbr.abs _section_cstart, $3  }
0xc2: {  	[dreg:$0x1] =	wrdreg $0xFFFFFFFF  }
0xc3: {  	_ =	task.clear_ibuf [dreg:s8], $0x2FFFF;
	_ =	strace $0x9FFFFFFF  }
0xc4: {  	(tm) =	ssettm $0x7FFFFFFF  }
0xc5: {  	_ =	shalt  }
tec
execute0_lowered:
.L_overlay_start_1:
0x0: {  	(tag) =	ssettag $0x1  }
0x1: {  	s0 =	srdreg.scid  }
0x2: {  	s1 =	sshll.u32 s0, $0x4  }
0x3: {  	s0 =	stileid.u32;
	s1 =	sand.u32 $0x10, s1  }
0x4: {  	s2 =	sor.u32 s0, s1  }
0x5: {  	s1 =	smin.u32 s2, $0x1C  }
0x6: {  	s1 =	sadd.s32 s2, s1  }
0x7: {  	p0 =	slt.u32 s2, $0x1C;
	s2 =	simm.s32 $0x50;
	s1 =	smul.u32 $0x28, s1  }
0x8: {  	s2 =	simm.s32 @!p0 $0x28  }
0x9: {  	s2 =	sadd.s32 s2, s1  }
0xa: {  	s3 =	smin.u32 s2, $0x960  }
0xb: {  	s7 =	ssub.s32 s3, s1  }
0xc: {  	p0 =	sgt.s32 s7, $0x0  }
0xd: {  	s4 =	rddreg [dreg:$0x0];
	s7 =	simm.s32 @!p0 $0x0  }
0xe: {  	s9 =	rddreg [dreg:$0x1];
	s31 =	smul.u32 $0xCCCD, s7  }
0xf: {  	s5 =	rddreg [dreg:$0x2]  }
0x10: {  	s6 =	simm.s32 $0x1;
	s11 =	simm.s32 $0x3;
	s8 =	sshrl.u32 s31, $0x15  }
0x11: {  	s13 =	simm.s32 $0x0;
	s12 =	simm.s32 $0x0;
	s10 =	smul.u32 $0x28, s8  }
.Ltmp0:
0x12: {  	s9 =	sadd.s32 $0x600, s9;
	s2 =	rddreg [dreg:$0x3];
	(pc) =	sbr.rel .LBB2_1-.Ltmp0, $4  }
0x13: {  	_ =	strace $0x8000004A;
	p0 =	sne.s32 s7, s10;
	s10 =	simm.s32 $0x1  }
0x14: {  	[sflag:s6] =	ssyncpa.u1 $0x0;
	s7 =	simm.s32 $0x2;
	s10 =	simm.s32 @!p0 $0x0  }
0x15: {  	[sflag:s7] =	ssyncpa.u1 $0x0;
	p0 =	por $0x0, $0x0;
	s8 =	sadd.s32 s8, s10  }
0x16: {  	vm0 =	vmmov $0xff;
	vm1 =	vcmask $0x3F20;
	[sflag:s11] =	ssyncpa.u1 $0x0;
	s11 =	smov.u32 s1;
	s10 =	sadd.s32 $0x1, s8  }
.LBB2_11:
0x17: {  	s13 =	sadd.s32 $0x28, s11  }
0x18: {  	s15 =	smov.u32 s1;
	p2 =	slt.s32 s13, s3  }
0x19: {  	s15 =	smov.u32 @p2 s13;
	p2 =	sne.s32 s12, s10  }
.Ltmp1:
0x1a: {  	p1 =	slt.u32 s12, $0x2;
	(pc) =	sbr.rel @!p2 .LBB2_12-.Ltmp1, $4  }
0x1b: {  	s14 =	simm.s32 @!p1 $0x3  }
0x1c: {  	s16 =	sadd.s32 $0x1, s12;
	_ =	swait.ge @!p1 [sflag:s14], $0x7800  }
0x1d: {  	p0 =	por !p0, !p0;
	s13 =	smov.u32 s11;
	[sflag:s14] =	ssyncset.done @!p1 $0x0  }
0x1e: {  	s12 =	smov.u32 s16;
	s11 =	smov.u32 s15;
	[sflag:s14] =	ssyncadd.s32 @!p1 $0xFFFF8800  }
.LBB2_1:
0x1f: {  	p1 =	sge.u32 s12, s8  }
0x20: {  	s14 =	sxor.u32 @!p1 $0xFFFFFFFF, s12  }
0x21: {  	s14 =	sand.u32 @!p1 $0x1, s14  }
0x22: {  	s14 =	smul.u32 @!p1 $0xA0, s14  }
0x23: {  	s31 =	sadd.s32 $0xFFFFFFFF, s12;
	s15 =	sshrl.u32 @!p1 s11, $0x3  }
0x24: {  	s16 =	sand.u32 @!p1 $0x7, s11;
	s15 =	sadd.s32 @!p1 s9, s15;
	s14 =	sshrl.u32 @!p1 s14, $0x2  }
0x25: {  	[tilespmem:s14], [sflag:$0x2] =	stream.linear.gather @!p1 [hbm4b:s15+s16], $0x28, $0x38;
	[tilespmem:$0xF050] =	vst v63  }
0x26: {  	p1 =	sge.u32 s31, s8  }
.Ltmp2:
0x27: {  	_ = 	snop;
	(pc) =	sbr.rel @p1 .LBB2_11-.Ltmp2, $1  }
0x28: {  	_ =	sdelay $0x3  }
0x29: {  	s14 =	simm.s32 $0x1;
	s15 =	sand.u32 $0x1, s12  }
0x2a: {  	s14 =	simm.s32 @!p0 $0x0;
	s16 =	smul.u32 $0xA0, s15  }
0x2b: {  	_ =	swait.ge [sflag:s7], $0x28;
	s14 =	smul.u32 $0x1E000, s14  }
0x2c: {  	s18 =	simm.s32 $0x0;
	p1 =	por $0x1, $0x1;
	[sflag:s7] =	ssyncset.done $0x0  }
0x2d: {  	[sflag:s7] =	ssyncadd.s32 $0xFFFFFFD8;
	s16 =	sshrl.u32 s16, $0x2;
	s17 =	sshrl.u32 s14, $0x2  }
0x2e: {  	s14 =	sor.u32 $0x50, s17;
	s15 =	sadd.s32 $0x6050, s17;
	s17 =	sadd.s32 $0x50, s17  }
.LBB2_3:
0x2f: {  	s19 =	sshll.u32 s18, $0x4  }
0x30: {  	s19 =	sand.u32 $0x3FFFFFF0, s19  }
0x31: {  	s19 =	sadd.s32 s19, s16  }
0x32: {  	v0 =	vld.msk [tilespmem:s19+$0x0 ss:$0x1], $0xffff;
	_ =	sdelay $0x4  }
0x33: {  	v1 =	vshrl.u32 v0, $0x2  }
0x34: {  	vm2 =	veq.s32 v0, $0x80000000;
	v1 =	vand.u32 $0x1FFF, v1  }
0x35: {  	v0 =	vand.u32 $0x3, v0;
	v1 =	vsel vm2, $0xFFFFFFFF, v1  }
0x36: {  	v0 =	vmul.u32 $0x600000, v0;
	v2 =	vshrl.u32 v1, $0x3  }
0x37: {  	v2 =	vmul.u32 $0x1800, v2  }
0x38: {  	v0 =	vsel vm2, $0xFFA00000, v0;
	v1 =	vshll.u32 v1, $0x7  }
0x39: {  	v1 =	vand.u32 $0x380, v1;
	v0 =	vadd.s32 v0, v2  }
0x3a: {  	v0 =	vor.u32 v1, v0  }
0x3b: {  	s31 =	smul.u32 $0xC000, s18;
	v0 =	vshrl.u32 v0, $0x3;
	_ =	sdelay $0x1  }
0x3c: {  	s18 =	sshra.s32 s31, $0x2  }
0x3d: {  	s18 =	sadd.s32 s18, s17  }
0x3e: {  	s20 =	sadd.s32 $0x0, s18  }
0x3f: {  	[tilespmem:s20], [sflag:$0x1] =	stream.indirect_vreg.gather [hbm:s4], $0x80, v0, vm0, $0x38;
	[tilespmem:$0xF050] =	vst v63  }
0x40: {  	p2 =	por p1, p1;
	s19 =	simm.s32 $0x1000;
	v1 =	vadd.s32 $0x80, v0;
	s20 =	sadd.s32 $0x1800, s20  }
.LBB2_4:
0x41: {  	[tilespmem:s20], [sflag:$0x1] =	stream.indirect_vreg.gather [hbm:s4], $0x80, v0, vm1, $0x38;
	[tilespmem:$0xF050] =	vst v63  }
0x42: {  	v0 =	vmov v1;
	s20 =	smov.u32 s19;
	p1 =	sne.s32 s19, $0x5000  }
.Ltmp3:
0x43: {  	s19 =	sadd.s32 $0x1000, s19;
	(pc) =	sbr.rel @p1 .LBB2_4-.Ltmp3, $4  }
0x44: {  	s20 =	sshra.s32 s20, $0x2  }
0x45: {  	s20 =	sadd.s32 s20, s18  }
0x46: {  	[tilespmem:s20], [sflag:$0x1] =	stream.indirect_vreg.gather [hbm:s4], $0x80, v1, vm0, $0x38;
	[tilespmem:$0xF050] =	vst v63  }
0x47: {  	s20 =	sadd.s32 $0x1800, s20;
	v1 =	vadd.s32 $0x80, v1  }
0x48: {  	_ = 	snop  }
.Ltmp4:
0x49: {  	_ = 	snop;
	(pc) =	sbr.rel @p2 .LBB2_3-.Ltmp4, $3  }
0x4a: {  	_ =	sdelay $0x1  }
0x4b: {  	[tilespmem:s20], [sflag:$0x1] =	stream.indirect_vreg.gather [hbm:s4], $0x80, v0, vm1, $0x38;
	[tilespmem:$0xF050] =	vst v63  }
0x4c: {  	s18 =	simm.s32 $0x1;
	p1 =	por $0x0, $0x0  }
0x4d: {  	v0 =	vld.msk [tilespmem:s16+$0x20 ss:$0x1], $0xff;
	_ =	sdelay $0x4  }
0x4e: {  	v1 =	vshrl.u32 v0, $0x2  }
0x4f: {  	vm2 =	veq.s32 v0, $0x80000000;
	v1 =	vand.u32 $0x1FFF, v1  }
0x50: {  	v0 =	vand.u32 $0x3, v0;
	v1 =	vsel vm2, $0xFFFFFFFF, v1  }
0x51: {  	v0 =	vmul.u32 $0x600000, v0;
	v2 =	vshrl.u32 v1, $0x3  }
0x52: {  	v2 =	vmul.u32 $0x1800, v2  }
0x53: {  	v0 =	vsel vm2, $0xFFA00000, v0;
	v1 =	vshll.u32 v1, $0x7  }
0x54: {  	v1 =	vand.u32 $0x380, v1;
	v0 =	vadd.s32 v0, v2  }
0x55: {  	v0 =	vor.u32 v1, v0  }
0x56: {  	v0 =	vshrl.u32 v0, $0x3;
	_ =	sdelay $0x3  }
0x57: {  	s16 =	simm.s32 $0x1000;
	s17 =	sadd.s32 $0x0, s15  }
.LBB2_7:
0x58: {  	[tilespmem:s17], [sflag:$0x1] =	stream.indirect_vreg.gather [hbm:s4], $0x80, v0, vm0, $0x38;
	[tilespmem:$0xF050] =	vst v63  }
0x59: {  	v0 =	vadd.s32 $0x80, v0;
	s17 =	smov.u32 s16;
	p1 =	sne.s32 s16, $0x5000  }
.Ltmp5:
0x5a: {  	s16 =	sadd.s32 $0x1000, s16;
	(pc) =	sbr.rel @p1 .LBB2_7-.Ltmp5, $3  }
0x5b: {  	_ =	sdelay $0x1  }
0x5c: {  	s17 =	sshra.s32 s17, $0x2  }
0x5d: {  	s17 =	sadd.s32 s17, s15  }
0x5e: {  	_ =	sdelay $0x3  }
0x5f: {  	[tilespmem:s17], [sflag:$0x1] =	stream.indirect_vreg.gather [hbm:s4], $0x80, v0, vm0, $0x38;
	[tilespmem:$0xF050] =	vst v63  }
0x60: {  	s15 =	sshrl.u32 s13, $0x3  }
0x61: {  	s15 =	smul.u32 $0x300, s15  }
0x62: {  	s31 =	sshll.u32 s13, $0x4  }
0x63: {  	_ =	swait.ge [sflag:s6], $0x7800;
	s13 =	sand.u32 $0x70, s31;
	s15 =	sadd.s32 s15, s5  }
0x64: {  	s16 =	sadd.s32 $0x1800, s14;
	[sflag:s6] =	ssyncset.done $0x0;
	s13 =	sadd.s32 s13, s15  }
0x65: {  	[sflag:s6] =	ssyncadd.s32 $0xFFFF8800;
	s15 =	simm.s32 $0x300;
	s17 =	sadd.s32 $0x0, s13  }
.LBB2_9:
0x66: {  	[hbm:s17] =	stream.linear.scatter [tilespmem:s14], [sflag:$0x3], $0x1800, $0x38;
	[tilespmem:$0xF050] =	vst v63  }
0x67: {  	s17 =	smov.u32 s15;
	s14 =	smov.u32 s16;
	p1 =	sne.s32 s15, $0xC00  }
.Ltmp6:
0x68: {  	s15 =	sadd.s32 $0x300, s15;
	(pc) =	sbr.rel @p1 .LBB2_9-.Ltmp6, $2  }
0x69: {  	_ =	sdelay $0x2  }
0x6a: {  	s16 =	sadd.s32 $0x1800, s16;
	s17 =	sadd.s32 s17, s13  }
.Ltmp7:
0x6b: {  	(pc) =	sbr.rel .LBB2_11-.Ltmp7, $2  }
0x6c: {  	_ =	sdelay $0x2  }
0x6d: {  	[hbm:s17] =	stream.linear.scatter [tilespmem:s14], [sflag:$0x3], $0x1800, $0x38;
	[tilespmem:$0xF050] =	vst v63  }
.LBB2_12:
0x6e: {  	_ =	sfence.sel $0x180000  }
0x6f: {  	s1 =	simm.s32 $0x2;
	[bflag:$0x0] =	sbarrier.arrive $0xFFFF  }
0x70: {  	s30 =	simm.s32 $0x3;
	[sflag:s1] =	ssyncpa.u1 $0x1  }
0x71: {  	s31 =	simm.s32 $0x1;
	[sflag:s30] =	ssyncpa.u1 $0x1  }
0x72: {  	[sflag:s31] =	ssyncpa.u1 $0x1  }
0x73: {  	p0 =	sne.s32 s0, $0x0;
	_ =	strace $0x9000004A  }
0x74: {  	s0 =	sadd.s32 @!p0 $0x100000, s2;
	[bflag:$0x2] =	sbarrier.arrive $0xFFFF  }
0x75: {  	[sflag:s0] =	ssyncadd.tile.s32 @!p0 $0x1;
	_ =	shalt  }
.Lfunc_end2:
_tile_overlayer_lowered:
.L_overlay_start_2:
0x76: {  	(tag) =	ssettag $0x2  }
0x77: {  	s0 =	rddreg [dreg:$0x0];
	s2 =	stileid.u32  }
0x78: {  	s1 =	rddreg [dreg:$0x1];
	p0 =	sne.s32 s2, $0x0  }
0x79: {  	s3 =	rddreg [dreg:$0x2];
	[bflag:$0x3] =	sbarrier.arrive $0xFFFF;
	s2 =	simm.s32 @!p0 $0x1C01  }
0x7a: {  	[timem:s3], [sflag:s2] =	dma.local @!p0 [hbm:s0], s1  }
0x7b: {  	s0 =	simm.s32 @!p0 $0x1  }
0x7c: {  	_ =	swait.ge @!p0 [sflag:s0], s1  }
0x7d: {  	s1 =	ssub.s32 @!p0 $0x0, s1;
	[sflag:s0] =	ssyncset.done @!p0 $0x0  }
0x7e: {  	[sflag:s0] =	ssyncadd.s32 @!p0 s1  }
0x7f: {  	[bflag:$0x3] =	sbarrier.arrive $0xFFFF  }
0x80: {  	_ =	shalt  }

// kernel: gather_offload_async_start
scs
__scs_entry_jumppad:
0x0: {  	(pc) =	sbr.rel $0x88, $3  }
0x1: {  	(tag) =	ssettag $0x0;
	lr =	simm.s32 $0x1  }
0x2: {  	[smem:$0x3F96] =	sst lr;
	_ =	strace $0xD0000000  }
0x3: {  	_ = 	snop  }
0x4: {  	_ = 	snop  }
0x5: {  	_ = 	snop  }
0x6: {  	_ = 	snop  }
0x7: {  	_ = 	snop  }
__scs_overlays_trampoline_lowered:
0x8: {  	[smem:$0x3FA5] =	sst s0  }
0x9: {  	[smem:$0x3FA6] =	sst s1  }
0xa: {  	[smem:$0x3FA7] =	sst s2  }
0xb: {  	[smem:$0x3FA8] =	sst s3  }
0xc: {  	[smem:$0x3FA9] =	sst s4  }
0xd: {  	[smem:$0x3FAA] =	sst s5  }
0xe: {  	[smem:$0x3FAB] =	sst s6  }
0xf: {  	[smem:$0x3FAC] =	sst s7  }
0x10: {  	[smem:$0x3FAD] =	sst s8  }
0x11: {  	[smem:$0x3FAE] =	sst s9;
	s0 =	simm.s32 @!p0 $0x0  }
0x12: {  	s1 =	sld [smem:$0x3F94];
	s0 =	simm.s32 @p0 $0x1  }
0x13: {  	[smem:$0x3FAF] =	sst s0;
	s0 =	simm.s32 @!p1 $0x0  }
0x14: {  	s2 =	sld [smem:$0x3F93];
	s0 =	simm.s32 @p1 $0x1  }
0x15: {  	[smem:$0x3FB0] =	sst s0;
	s0 =	simm.s32 @!p2 $0x0  }
0x16: {  	s3 =	sld [smem:$0x3FDB];
	s0 =	simm.s32 @p2 $0x1  }
0x17: {  	s4 =	simm.s32 $0x1BF5;
	[smem:$0x3FB2] =	sst s0  }
0x18: {  	s0 =	sld [smem:$0x3F95];
	_ =	swait.ge [sflag:s4], $0x0  }
0x19: {  	s7 =	sld [smem:$0x3F96]  }
0x1a: {  	s8 =	sadd.s32 $0xFFFFE003, lr  }
0x1b: {  	s9 =	sadd.s32 $0xFFFFFEF7, lr;
	s5 =	simm.s32 $0xFFFFFFFF;
	p2 =	slt.u32 s8, $0xFFFFF086  }
0x1c: {  	p1 =	slt.u32 s9, $0xF7A;
	s5 =	simm.s32 @!p2 $0x0  }
0x1d: {  	s5 =	simm.s32 @p1 $0x1;
	p0 =	seq.s32 s7, s2  }
0x1e: {  	s7 =	smul.u32 @!p0 $0xF7A, s2;
	p2 =	seq.s32 @!p0 s5, $0x0  }
0x1f: {  	s9 =	smul.u32 $0xF7A, s1;
	s8 =	simm.s32 @!p0 $0x1BF5;
	p2 =	por !p2, p0  }
0x20: {  	[sflag:s8] =	ssyncset.s32 @!p0 $0xFFFFF086;
	s6 =	sadd.s32 @!p0 s3, s7;
	s7 =	simm.s32 @!p0 $0x108  }
0x21: {  	s3 =	sadd.s32 s3, s9;
	s6 =	sadd.s32 @!p0 $0x88, s6;
	s7 =	simm.s32 @p2 $0x1082  }
0x22: {  	[simem:s7], [sflag:s8] =	dma.local @!p0 [hbm:s6], $0xF7A  }
0x23: {  	s9 =	sor.u32 $0xD0000000, s2;
	s6 =	simm.s32 $0x108;
	_ =	swait.ge @!p0 [sflag:s8], $0x0  }
0x24: {  	s3 =	sadd.s32 $0x88, s3;
	s6 =	simm.s32 @!p1 $0x1082;
	[sflag:s4] =	ssyncset.s32 $0xFFFFF086  }
0x25: {  	[simem:s6], [sflag:s4] =	dma.local [hbm:s3], $0xF7A  }
0x26: {  	[smem:$0x3F96] =	sst s1;
	(tag) =	ssettag s2;
	_ =	strace s9  }
0x27: {  	s1 =	sld [smem:$0x3FA6]  }
0x28: {  	s2 =	sld [smem:$0x3FA7]  }
0x29: {  	s4 =	sld [smem:$0x3FA9]  }
0x2a: {  	p0 =	seq.s32 s5, $0x0;
	s5 =	sld [smem:$0x3FAA]  }
0x2b: {  	s6 =	sld [smem:$0x3FAB]  }
0x2c: {  	s7 =	sld [smem:$0x3FAC]  }
0x2d: {  	s3 =	simm.s32 $0x108;
	s8 =	sld [smem:$0x3FAD]  }
0x2e: {  	s3 =	simm.s32 @!p0 $0x1082;
	s9 =	sld [smem:$0x3FAE]  }
0x2f: {  	lr =	sadd.s32 s0, s3;
	s0 =	sld [smem:$0x3FA5]  }
0x30: {  	s3 =	sld [smem:$0x3FA8]  }
0x31: {  	[smem:$0x3FB1] =	sst s10  }
0x32: {  	s10 =	sld [smem:$0x3FAF];
	_ =	sdelay $0x3  }
0x33: {  	p0 =	seq.s32 s10, $0x1;
	s10 =	sld [smem:$0x3FB1];
	_ =	sdelay $0x3  }
0x34: {  	[smem:$0x3FB1] =	sst s10  }
0x35: {  	s10 =	sld [smem:$0x3FB0];
	_ =	sdelay $0x3  }
0x36: {  	p1 =	seq.s32 s10, $0x1;
	s10 =	sld [smem:$0x3FB1];
	_ =	sdelay $0x3  }
0x37: {  	[smem:$0x3FB1] =	sst s10  }
0x38: {  	s10 =	sld [smem:$0x3FB2]  }
0x39: {  	_ = 	snop;
	(pc) =	sbr.ind lr, $3  }
0x3a: {  	_ = 	snop  }
0x3b: {  	_ = 	snop  }
0x3c: {  	p2 =	seq.s32 s10, $0x1;
	s10 =	sld [smem:$0x3FB1]  }
0x3d: {  	_ =	shalt  }
0x3e: {  	_ =	shalt  }
0x3f: {  	_ =	shalt  }
0x40: {  	_ =	shalt  }
0x41: {  	_ =	shalt  }
0x42: {  	_ =	shalt  }
0x43: {  	_ =	shalt  }
0x44: {  	_ =	shalt  }
0x45: {  	_ =	shalt  }
0x46: {  	_ =	shalt  }
0x47: {  	_ =	shalt  }
0x48: {  	_ =	shalt  }
0x49: {  	_ =	shalt  }
0x4a: {  	_ =	shalt  }
0x4b: {  	_ =	shalt  }
0x4c: {  	_ =	shalt  }
0x4d: {  	_ =	shalt  }
0x4e: {  	_ =	shalt  }
0x4f: {  	_ =	shalt  }
0x50: {  	_ =	shalt  }
0x51: {  	_ =	shalt  }
0x52: {  	_ =	shalt  }
0x53: {  	_ =	shalt  }
0x54: {  	_ =	shalt  }
0x55: {  	_ =	shalt  }
0x56: {  	_ =	shalt  }
0x57: {  	_ =	shalt  }
0x58: {  	_ =	shalt  }
0x59: {  	_ =	shalt  }
0x5a: {  	_ =	shalt  }
0x5b: {  	_ =	shalt  }
0x5c: {  	_ =	shalt  }
0x5d: {  	_ =	shalt  }
0x5e: {  	_ =	shalt  }
0x5f: {  	_ =	shalt  }
0x60: {  	_ =	shalt  }
0x61: {  	_ =	shalt  }
0x62: {  	_ =	shalt  }
0x63: {  	_ =	shalt  }
0x64: {  	_ =	shalt  }
0x65: {  	_ =	shalt  }
0x66: {  	_ =	shalt  }
0x67: {  	_ =	shalt  }
0x68: {  	_ =	shalt  }
0x69: {  	_ =	shalt  }
0x6a: {  	_ =	shalt  }
0x6b: {  	_ =	shalt  }
0x6c: {  	_ =	shalt  }
0x6d: {  	_ =	shalt  }
0x6e: {  	_ =	shalt  }
0x6f: {  	_ =	shalt  }
0x70: {  	_ =	shalt  }
0x71: {  	_ =	shalt  }
0x72: {  	_ =	shalt  }
0x73: {  	_ =	shalt  }
0x74: {  	_ =	shalt  }
0x75: {  	_ =	shalt  }
0x76: {  	_ =	shalt  }
0x77: {  	_ =	shalt  }
0x78: {  	_ =	shalt  }
0x79: {  	_ =	shalt  }
0x7a: {  	_ =	shalt  }
0x7b: {  	_ =	shalt  }
0x7c: {  	_ =	shalt  }
0x7d: {  	_ =	shalt  }
0x7e: {  	_ =	shalt  }
0x7f: {  	_ =	shalt  }
0x80: {  	_ =	shalt  }
0x81: {  	_ =	shalt  }
0x82: {  	_ =	shalt  }
0x83: {  	_ =	shalt  }
0x84: {  	_ =	shalt  }
0x85: {  	_ =	shalt  }
0x86: {  	_ =	shalt  }
0x87: {  	_ =	shalt  }
.Lfunc_end0:
.L_simem_size_0:
called_computation_lowered:
.L_overlay_start_0:
0x88: {  	s2 =	sld [smem:$0x3FD9]  }
0x89: {  	s3 =	sld [smem:$0x3FFE];
	_ =	sdelay $0x1  }
0x8a: {  	s1 =	srdreg.scid  }
0x8b: {  	s0 =	sand.u32 $0x1, s1  }
0x8c: {  	s17 =	sshll.u32 s0, $0xA;
	s2 =	sadd.s32 s3, s2  }
0x8d: {  	s2 =	sadd.s32 s2, s17  }
0x8e: {  	[smem:$0x3FBD] =	sst s2  }
0x8f: {  	_ = 	snop  }
0x90: {  	s2 =	sld [smem:$0x3FD0];
	(tm) =	ssettm $0x1  }
0x91: {  	s18 =	sld [smem:$0x3FFB];
	_ =	sdelay $0x3  }
0x92: {  	_ =	strace s18  }
0x93: {  	s3 =	sld [smem:$0x3FFC];
	_ =	sdelay $0x3  }
0x94: {  	_ =	strace s3  }
0x95: {  	s3 =	sld [smem:$0x3FFD];
	_ =	sdelay $0x3  }
0x96: {  	_ =	strace s3  }
0x97: {  	_ =	strace $0x8FFFFFFF  }
0x98: {  	s19 =	sld [smem:$0x3FDB];
	_ =	sdelay $0x1  }
0x99: {  	s4 =	simm.s32 $_scs_section_size  }
0x9a: {  	s5 =	simm.s32 $_size__tile_overlayer_lowered;
	s6 =	simm.s32 $_tile_overlayer_lowered  }
0x9b: {  	s22 =	simm.s32 $0x1BFF;
	s21 =	sshll.u32 s6, $0x1;
	s3 =	sadd.s32 s4, s19  }
0x9c: {  	s7 =	simm.s32 $0x0;
	s20 =	sshll.u32 s5, $0x1;
	s5 =	sadd.s32 s21, s3  }
0x9d: {  	[timem:s7], [sflag:s22] =	dma.local [hbm:s5], s20  }
0x9e: {  	_ =	swait.ge [sflag:s22], s20  }
0x9f: {  	s4 =	ssub.s32 $0x0, s20;
	[sflag:s22] =	ssyncset.done $0x0  }
0xa0: {  	[sflag:s22] =	ssyncadd.s32 s4;
	_ =	sdelay $0x1  }
0xa1: {  	s23 =	simm.s32 $0x1B8B  }
0xa2: {  	_ =	swait.ge [sflag:s23], $0x1  }
0xa3: {  	[sflag:s23] =	ssyncset.done $0x0  }
0xa4: {  	s25 =	simm.s32 $0x1B8E;
	s24 =	sld [smem:$0x3FFE];
	[sflag:s23] =	ssyncadd.s32 $0xFFFFFFFF  }
0xa5: {  	s26 =	simm.s32 $execute0_lowered;
	[smem:$0x3FD2] =	sst s25  }
0xa6: {  	s5 =	sshll.u32 s26, $0x1;
	_ =	strace $0x80000046;
	[dreg:$0x1] =	wrdreg $0xFFFFFFFF  }
0xa7: {  	s28 =	simm.s32 $_size_execute0_lowered;
	s3 =	sadd.s32 s3, s5;
	[dreg:$0x0] =	wrdreg $0x0  }
0xa8: {  	s5 =	sshll.u32 s28, $0x1;
	[dreg:$0x2] =	wrdreg s3  }
0xa9: {  	[dreg:$0x3] =	wrdreg s5  }
0xaa: {  	[dreg:$0x4] =	wrdreg $0xC0  }
0xab: {  	_ =	task [dreg:s7], $0x5FFFF  }
0xac: {  	[dreg:$0x1] =	wrdreg $0xFFFFFFFF  }
0xad: {  	[dreg:$0x0] =	wrdreg $0x60  }
0xae: {  	[dreg:$0x2] =	wrdreg s24  }
0xaf: {  	[dreg:$0x3] =	wrdreg s2  }
0xb0: {  	[dreg:$0x4] =	wrdreg $0x9  }
0xb1: {  	_ =	task.clear_ibuf [dreg:s7], $0x5FFFF;
	_ =	strace $0x90000046  }
0xb2: {  	s29 =	simm.s32 $0x9;
	_ =	strace $0x80000048  }
0xb3: {  	_ =	swait.ge [sflag:s29], $0x1  }
0xb4: {  	[sflag:s29] =	ssyncadd.s32 $0xFFFFFFFF  }
0xb5: {  	_ =	strace $0x90000048  }
0xb6: {  	_ =	sfence  }
0xb7: {  	s30 =	sld [smem:$0x0];
	_ =	sdelay $0x2  }
0xb8: {  	s31 =	sshll.u32 s1, $0xD;
	s1 =	sshrl.u32 s1, $0x2  }
0xb9: {  	s3 =	sand.u32 $0x4000, s31;
	s1 =	sadd.s32 s1, s30  }
0xba: {  	s0 =	sor.u32 s3, s0;
	s1 =	sshll.u32 s1, $0x11  }
0xbb: {  	s0 =	sor.u32 s1, s0  }
0xbc: {  	s0 =	sadd.s32 $0x8F2B, s0  }
0xbd: {  	[sflag:s0] =	ssyncadd.remote.s32 $0x1  }
0xbe: {  	_ =	sfence.sel $0xFFFF  }
0xbf: {  	[dreg:$0x0] =	wrdreg $0xFFFFFFFF;
	(pc) =	sbr.abs _section_cstart, $3  }
0xc0: {  	[dreg:$0x1] =	wrdreg $0xFFFFFFFF  }
0xc1: {  	_ =	task.clear_ibuf [dreg:s7], $0x2FFFF;
	_ =	strace $0x9FFFFFFF  }
0xc2: {  	(tm) =	ssettm $0x7FFFFFFF  }
0xc3: {  	_ =	shalt  }
tec
execute0_lowered:
.L_overlay_start_1:
0x0: {  	(tag) =	ssettag $0x1  }
0x1: {  	s2 =	rddreg [dreg:$0x0]  }
0x2: {  	s3 =	rddreg [dreg:$0x1];
	s1 =	stileid.u32  }
0x3: {  	s4 =	srdreg.scid;
	s0 =	rddreg [dreg:$0x2];
	_ =	strace $0x80000047  }
0x4: {  	s7 =	simm.s32 $0x1;
	s8 =	simm.s32 $0x1;
	s9 =	simm.s32 $0x3  }
0x5: {  	s10 =	simm.s32 $0x0;
	s5 =	sand.u32 $0x1, s4;
	s6 =	sshll.u32 s1, $0x1  }
0x6: {  	s13 =	simm.s32 $0x0;
	s4 =	simm.s32 $0x1;
	s5 =	sor.u32 s6, s5  }
.Ltmp0:
0x7: {  	[sflag:s4] =	ssyncpa.u1 $0x0;
	p0 =	slt.u32 s5, $0x13;
	(pc) =	sbr.rel .LBB2_1-.Ltmp0, $4  }
0x8: {  	s6 =	simm.s32 $0x2;
	s7 =	simm.s32 @!p0 $0x0;
	p0 =	sne.s32 s5, $0x12  }
0x9: {  	[sflag:s6] =	ssyncpa.u1 $0x0;
	s5 =	smul.u32 $0x30, s5;
	s8 =	simm.s32 @!p0 $0x0  }
0xa: {  	s12 =	simm.s32 $0x0;
	[sflag:s9] =	ssyncpa.u1 $0x0;
	s7 =	sadd.s32 s8, s7  }
0xb: {  	vm0 =	vmmov $0xffff;
	s8 =	sadd.s32 $0x400, s2;
	s11 =	smov.u32 s5;
	s9 =	sadd.s32 $0x1, s7  }
.LBB2_4:
0xc: {  	v3 =	vmul.u32 $0xA00, v3;
	v4 =	vshll.u32 v1, $0x2  }
0xd: {  	v2 =	vshll.u32 v2, $0x7;
	v4 =	vand.u32 $0xFFFFFE00, v4  }
0xe: {  	v2 =	vand.u32 $0x180, v2;
	v3 =	vadd.s32 v3, v4  }
0xf: {  	v63 =	vand.u32 $0x7F, v1;
	v2 =	vor.u32 v2, v3  }
0x10: {  	v1 =	vor.u32 v63, v2;
	_ =	sdelay $0x2  }
0x11: {  	[tilespmem:s15], [sflag:$0x1] =	stream.indirect_vreg.gather [hbm4b:s2+s10], $0x1, v0, vm0, $0x4038;
	[tilespmem:$0xC0] =	vst v63  }
0x12: {  	(ifvalue) =	ssetifvalue $0x7FFFFFFF;
	s29 =	sadd.s32 $0x10, s15  }
0x13: {  	[tilespmem:s29], [sflag:$0x1] =	stream.indirect_vreg.gather [hbm4b:s2+s10], $0x1, v1, vm0, $0x4038;
	[tilespmem:$0xC0] =	vst v63  }
0x14: {  	_ =	swait.ge [sflag:s4], $0x30  }
0x15: {  	s30 =	sshrl.u32 s13, $0x3;
	[sflag:s4] =	ssyncset.done $0x0  }
0x16: {  	s31 =	sand.u32 $0x7, s13;
	s15 =	sadd.s32 s8, s30;
	[sflag:s4] =	ssyncadd.s32 $0xFFFFFFD0  }
0x17: {  	[hbm4b:s15+s31] =	stream.linear.scatter [tilespmem:s14], [sflag:$0x3], $0x30, $0x38;
	[tilespmem:$0xC0] =	vst v63  }
.LBB2_5:
0x18: {  	s15 =	sadd.s32 $0x600, s11  }
0x19: {  	p1 =	sgt.s32 s15, $0x95F  }
0x1a: {  	s15 =	smov.u32 @p1 s5;
	p1 =	sne.s32 s12, s9  }
.Ltmp1:
0x1b: {  	p0 =	slt.u32 s12, $0x2;
	(pc) =	sbr.rel @!p1 .LBB2_6-.Ltmp1, $4  }
0x1c: {  	s14 =	simm.s32 @!p0 $0x3  }
0x1d: {  	_ =	swait.ge @!p0 [sflag:s14], $0x30  }
0x1e: {  	s16 =	sadd.s32 $0x1, s12;
	s13 =	smov.u32 s11;
	[sflag:s14] =	ssyncset.done @!p0 $0x0  }
0x1f: {  	s12 =	smov.u32 s16;
	s11 =	smov.u32 s15;
	[sflag:s14] =	ssyncadd.s32 @!p0 $0xFFFFFFD0  }
.LBB2_1:
0x20: {  	p0 =	sge.u32 s12, s7  }
0x21: {  	s14 =	sxor.u32 @!p0 $0x1, s12  }
0x22: {  	s14 =	smul.u32 @!p0 $0xC0, s14  }
0x23: {  	s31 =	sadd.s32 $0xFFFFFFFF, s12;
	s15 =	sshrl.u32 @!p0 s11, $0x3  }
0x24: {  	s16 =	sand.u32 @!p0 $0x7, s11;
	s15 =	sadd.s32 @!p0 s3, s15;
	s14 =	sshra.s32 @!p0 s14, $0x2  }
0x25: {  	[tilespmem:s14], [sflag:$0x2] =	stream.linear.gather @!p0 [hbm4b:s15+s16], $0x30, $0x38;
	[tilespmem:$0xC0] =	vst v63  }
0x26: {  	p0 =	sge.u32 s31, s7  }
.Ltmp2:
0x27: {  	_ = 	snop;
	(pc) =	sbr.rel @p0 .LBB2_5-.Ltmp2, $1  }
0x28: {  	_ =	sdelay $0x3  }
0x29: {  	s14 =	sand.u32 $0x1, s12  }
0x2a: {  	_ =	swait.ge [sflag:s6], $0x30;
	p0 =	seq.s32 s14, $0x1;
	s14 =	simm.s32 $0x30  }
0x2b: {  	[sflag:s6] =	ssyncset.done $0x0;
	s14 =	simm.s32 @!p0 $0x0  }
0x2c: {  	[sflag:s6] =	ssyncadd.s32 $0xFFFFFFD0;
	(ifvalue) =	ssetifvalue $0x7FFFFFFF;
	v0 =	vld.msk [tilespmem:s14+$0x0 ss:$0x1], $0xffff;
	_ =	sdelay $0x4  }
0x2d: {  	vm1 =	veq.s32 v0, $0x80000000;
	v1 =	vand.u32 $0x3, v0;
	v0 =	vshrl.u32 v0, $0x2  }
0x2e: {  	v1 =	vsel vm1, $0xFFFFFFFF, v1;
	v0 =	vand.u32 $0x3FF, v0  }
0x2f: {  	v0 =	vsel vm1, $0xFFFFFFFF, v0;
	v2 =	vshrl.u32 v1, $0x2  }
0x30: {  	s15 =	sadd.s32 $0x10, s14;
	v2 =	vmul.u32 $0xA00, v2;
	v4 =	vshll.u32 v0, $0x2  }
0x31: {  	v3 =	vld.msk [tilespmem:s15+$0x0 ss:$0x1], $0xffff;
	v1 =	vshll.u32 v1, $0x7;
	v4 =	vand.u32 $0xFFFFFE00, v4  }
0x32: {  	v1 =	vand.u32 $0x180, v1;
	v2 =	vadd.s32 v2, v4  }
0x33: {  	v0 =	vand.u32 $0x7F, v0;
	v1 =	vor.u32 v1, v2  }
0x34: {  	v0 =	vor.u32 v0, v1;
	_ =	sdelay $0x1  }
0x35: {  	vm1 =	veq.s32 v3, $0x80000000;
	v2 =	vand.u32 $0x3, v3;
	v3 =	vshrl.u32 v3, $0x2  }
0x36: {  	s16 =	simm.s32 $0x10;
	s14 =	sadd.s32 $0x60, s14;
	v2 =	vsel vm1, $0xFFFFFFFF, v2;
	v3 =	vand.u32 $0x3FF, v3  }
0x37: {  	s17 =	sadd.s32 $0x10, s15;
	(ifvalue) =	ssetifvalue $0x7FFFFFFF;
	s15 =	smov.u32 s14;
	v1 =	vsel vm1, $0xFFFFFFFF, v3;
	v3 =	vshrl.u32 v2, $0x2  }
.LBB2_3:
0x38: {  	v4 =	vld.msk [tilespmem:s17+$0x0 ss:$0x1], $0xffff;
	v3 =	vmul.u32 $0xA00, v3;
	v5 =	vshll.u32 v1, $0x2;
	[tilespmem:s15], [sflag:$0x1] =	stream.indirect_vreg.gather [hbm4b:s2+s10], $0x1, v0, vm0, $0x4038  }
0x39: {  	s16 =	sadd.s32 $0x10, s16;
	v2 =	vshll.u32 v2, $0x7;
	v0 =	vand.u32 $0xFFFFFE00, v5  }
0x3a: {  	p0 =	slt.u32 s16, $0x20;
	v2 =	vand.u32 $0x180, v2;
	v0 =	vadd.s32 v3, v0  }
0x3b: {  	v1 =	vand.u32 $0x7F, v1;
	v0 =	vor.u32 v2, v0  }
.Ltmp3:
0x3c: {  	v0 =	vor.u32 v1, v0;
	(pc) =	sbr.rel @p0 .LBB2_3-.Ltmp3, $4  }
0x3d: {  	_ = 	snop  }
0x3e: {  	vm1 =	veq.s32 v4, $0x80000000;
	v1 =	vand.u32 $0x3, v4;
	v3 =	vshrl.u32 v4, $0x2  }
0x3f: {  	v2 =	vsel vm1, $0xFFFFFFFF, v1;
	v1 =	vand.u32 $0x3FF, v3  }
0x40: {  	s17 =	sadd.s32 $0x10, s17;
	s15 =	sadd.s32 $0x10, s15;
	v1 =	vsel vm1, $0xFFFFFFFF, v1;
	v3 =	vshrl.u32 v2, $0x2;
	(ifvalue) =	ssetifvalue $0x7FFFFFFF  }
.Ltmp4:
0x41: {  	_ = 	snop;
	(pc) =	sbr.rel .LBB2_4-.Ltmp4, $1  }
0x42: {  	_ =	sdelay $0x3  }
.LBB2_6:
0x43: {  	_ =	sfence.sel $0x180000  }
0x44: {  	s2 =	simm.s32 $0x2;
	[bflag:$0x0] =	sbarrier.arrive $0xFFFF  }
0x45: {  	s30 =	simm.s32 $0x3;
	[sflag:s2] =	ssyncpa.u1 $0x1  }
0x46: {  	s31 =	simm.s32 $0x1;
	[sflag:s30] =	ssyncpa.u1 $0x1  }
0x47: {  	[sflag:s31] =	ssyncpa.u1 $0x1  }
0x48: {  	p0 =	sne.s32 s1, $0x0;
	_ =	strace $0x90000047  }
0x49: {  	s0 =	sadd.s32 @!p0 $0x100000, s0;
	[bflag:$0x2] =	sbarrier.arrive $0xFFFF  }
0x4a: {  	[sflag:s0] =	ssyncadd.tile.s32 @!p0 $0x1;
	_ =	shalt  }
.Lfunc_end2:
_tile_overlayer_lowered:
.L_overlay_start_2:
0x4b: {  	(tag) =	ssettag $0x2  }
0x4c: {  	s0 =	rddreg [dreg:$0x0];
	s2 =	stileid.u32  }
0x4d: {  	s1 =	rddreg [dreg:$0x1];
	p0 =	sne.s32 s2, $0x0  }
0x4e: {  	s3 =	rddreg [dreg:$0x2];
	[bflag:$0x3] =	sbarrier.arrive $0xFFFF;
	s2 =	simm.s32 @!p0 $0x1C01  }
0x4f: {  	[timem:s3], [sflag:s2] =	dma.local @!p0 [hbm:s0], s1  }
0x50: {  	s0 =	simm.s32 @!p0 $0x1  }
0x51: {  	_ =	swait.ge @!p0 [sflag:s0], s1  }
0x52: {  	s1 =	ssub.s32 @!p0 $0x0, s1;
	[sflag:s0] =	ssyncset.done @!p0 $0x0  }
0x53: {  	[sflag:s0] =	ssyncadd.s32 @!p0 s1  }
0x54: {  	[bflag:$0x3] =	sbarrier.arrive $0xFFFF  }
0x55: {  	_ =	shalt  }

</sc_bundles>
